<compile_context>
chip_gen: v7x
topology: tpu7x:2x2x1
jax: 0.10.2.dev20260603
libtpu: 0.0.44.dev20260713+nightly
codegen_flags: <defaults>
</compile_context>

<pallas_src>
import jax
import jax.numpy as jnp
from jax import lax
from jax.experimental import pallas as pl
from jax.experimental.pallas import tpu as pltpu
from jax.experimental.pallas import tpu_sc as plsc

N_NODES = 10000
N_EDGES = 320000
D = 128
CENTER_NUM = 16
N_CLASSES = 40

N_PAD = 10240
CHUNK = 128
NUM_WORKERS = 32
CHUNKS_PER_TILE = 80
NUM_CHUNKS = CHUNKS_PER_TILE * NUM_WORKERS
E_SC_PAD = NUM_CHUNKS * CHUNK
ROWS_PER_TILE = N_PAD // 16
TRASH_BIN = N_NODES + 16

HROWS = 64
E_HPAD = 2560 * CHUNK


def _sc_aggregate_body(h_hbm, ei_hbm, part_out,
                       acc_sh, sd_v, sd1_v, rows_v, rows1_v, zrow_v,
                       sem, sem1):
    c = lax.axis_index("c")
    s = lax.axis_index("s")
    w = c * 16 + s

    zero16 = jnp.zeros((16,), jnp.float32)

    def fill_const(i, carry):
        for q in range(D // 16):
            zrow_v[i, pl.ds(q * 16, 16)] = zero16
        return carry
    lax.fori_loop(0, 64, fill_const, 0)

    base_row = s * ROWS_PER_TILE
    for q in range(ROWS_PER_TILE // 64):
        pltpu.sync_copy(zrow_v, acc_sh.at[pl.ds(base_row + q * 64, 64)])

    plsc.subcore_barrier()

    def chunk_body(p, carry):
        ca = w + NUM_WORKERS * (4 * p)
        cb = ca + NUM_WORKERS
        cc = cb + NUM_WORKERS
        cd = cc + NUM_WORKERS
        pltpu.sync_copy(ei_hbm.at[ca], sd_v)
        pltpu.async_copy(h_hbm.at[sd_v.at[0]], rows_v, sem).wait()
        pltpu.sync_copy(ei_hbm.at[cb], sd1_v)
        gb = pltpu.async_copy(h_hbm.at[sd1_v.at[0]], rows1_v, sem1)
        pltpu.sync_copy(rows_v, acc_sh.at[sd_v.at[1]], add=True)
        gb.wait()
        pltpu.sync_copy(ei_hbm.at[cc], sd_v)
        gc = pltpu.async_copy(h_hbm.at[sd_v.at[0]], rows_v, sem)
        pltpu.sync_copy(rows1_v, acc_sh.at[sd1_v.at[1]], add=True)
        gc.wait()
        pltpu.sync_copy(ei_hbm.at[cd], sd1_v)
        gd = pltpu.async_copy(h_hbm.at[sd1_v.at[0]], rows1_v, sem1)
        pltpu.sync_copy(rows_v, acc_sh.at[sd_v.at[1]], add=True)
        gd.wait()
        pltpu.sync_copy(rows1_v, acc_sh.at[sd1_v.at[1]], add=True)
        return carry

    lax.fori_loop(0, CHUNKS_PER_TILE // 4, chunk_body, 0)

    plsc.subcore_barrier()

    pltpu.sync_copy(acc_sh.at[pl.ds(base_row, ROWS_PER_TILE)],
                    part_out.at[c, pl.ds(base_row, ROWS_PER_TILE)])


def _sc_aggregate(h, ei_chunks):
    mesh = plsc.VectorSubcoreMesh(core_axis_name="c", subcore_axis_name="s")
    return pl.kernel(
        _sc_aggregate_body,
        out_type=jax.ShapeDtypeStruct((2, N_PAD, D), jnp.float32),
        mesh=mesh,
        scratch_types=[
            pltpu.VMEM_SHARED((N_PAD, D), jnp.float32),
            pltpu.VMEM((2, CHUNK), jnp.int32),
            pltpu.VMEM((2, CHUNK), jnp.int32),
            pltpu.VMEM((CHUNK, D), jnp.float32),
            pltpu.VMEM((CHUNK, D), jnp.float32),
            pltpu.VMEM((64, D), jnp.float32),
            pltpu.SemaphoreType.DMA,
            pltpu.SemaphoreType.DMA,
        ],
    )(h, ei_chunks)


def _tc_hist_body(src_ref, dst_ref, cnt_ref, flag_ref):
    i = pl.program_id(0)
    s = src_ref[...]
    d = dst_ref[...]
    hi = d >> 7
    lo = d & 127
    oh_hi = (lax.broadcasted_iota(jnp.int32, (HROWS, 128, N_PAD // 128), 2)
             == hi[:, :, None]).astype(jnp.float32)
    oh_lo = (lax.broadcasted_iota(jnp.int32, (HROWS, 128, 128), 2)
             == lo[:, :, None]).astype(jnp.float32)
    per_u = lax.dot_general(oh_hi, oh_lo, (((1,), (1,)), ((0,), (0,))),
                            preferred_element_type=jnp.float32)
    contrib = jnp.sum(per_u, axis=0)
    fcontrib = jnp.sum((s == d).astype(jnp.float32))

    @pl.when(i == 0)
    def _():
        cnt_ref[...] = contrib
        flag_ref[...] = jnp.full((8, 128), fcontrib, jnp.float32)

    @pl.when(i > 0)
    def _():
        cnt_ref[...] = cnt_ref[...] + contrib
        flag_ref[...] = flag_ref[...] + fcontrib


def _tc_hist(src2d, dst2d):
    grid = (E_HPAD // 128 // HROWS,)
    return pl.pallas_call(
        _tc_hist_body,
        grid=grid,
        in_specs=[
            pl.BlockSpec((HROWS, 128), lambda i: (i, 0)),
            pl.BlockSpec((HROWS, 128), lambda i: (i, 0)),
        ],
        out_specs=[
            pl.BlockSpec((N_PAD // 128, 128), lambda i: (0, 0)),
            pl.BlockSpec((8, 128), lambda i: (0, 0)),
        ],
        out_shape=[
            jax.ShapeDtypeStruct((N_PAD // 128, 128), jnp.float32),
            jax.ShapeDtypeStruct((8, 128), jnp.float32),
        ],
    )(src2d, dst2d)


def _tc_dense_body(part_ref, cnt_ref, flag_ref, h_ref, ws_ref, wt_ref, out_ref):
    psum = part_ref[0] + part_ref[1]
    cnt = cnt_ref[...]
    loop_total = jnp.sum(flag_ref[...])
    loop_w = jnp.where(loop_total > 0.0, 0.0, 1.0)

    hm = (psum + loop_w * h_ref[...]) / jnp.maximum(cnt + loop_w, 1.0)

    logits = lax.dot_general(hm, ws_ref[...], (((1,), (1,)), ((), ())),
                             preferred_element_type=jnp.float32)
    maxv = jnp.max(logits, axis=1, keepdims=True)
    iota = lax.broadcasted_iota(jnp.int32, logits.shape, 1)
    idx = jnp.min(jnp.where(logits == maxv, iota, CENTER_NUM),
                  axis=1, keepdims=True)

    allout = lax.dot_general(hm, wt_ref[...], (((1,), (1,)), ((), ())),
                             preferred_element_type=jnp.float32)
    acc = jnp.zeros((out_ref.shape[0], N_CLASSES), jnp.float32)
    for k in range(CENTER_NUM):
        acc = acc + jnp.where(idx == k,
                              allout[:, k * N_CLASSES:(k + 1) * N_CLASSES],
                              0.0)
    out_ref[...] = acc


def _tc_dense(partial, cnt_flat, flag, h_pad, W_structure, Wt_flat):
    B = 512
    grid = (N_PAD // B,)
    return pl.pallas_call(
        _tc_dense_body,
        grid=grid,
        in_specs=[
            pl.BlockSpec((2, B, D), lambda i: (0, i, 0)),
            pl.BlockSpec((B, 1), lambda i: (i, 0)),
            pl.BlockSpec((8, 128), lambda i: (0, 0)),
            pl.BlockSpec((B, D), lambda i: (i, 0)),
            pl.BlockSpec((CENTER_NUM, D), lambda i: (0, 0)),
            pl.BlockSpec((CENTER_NUM * N_CLASSES, D), lambda i: (0, 0)),
        ],
        out_specs=pl.BlockSpec((B, N_CLASSES), lambda i: (i, 0)),
        out_shape=jax.ShapeDtypeStruct((N_PAD, N_CLASSES), jnp.float32),
    )(partial, cnt_flat, flag, h_pad, W_structure, Wt_flat)


def kernel(h, edge_index, W_structure, W_task):
    n_sc_extra = E_SC_PAD - N_EDGES
    sc_pad = jnp.stack([
        jnp.zeros((n_sc_extra,), edge_index.dtype),
        jnp.full((n_sc_extra,), TRASH_BIN, edge_index.dtype),
    ])
    ei_chunks = jnp.transpose(
        jnp.concatenate([edge_index, sc_pad], axis=1)
        .reshape(2, NUM_CHUNKS, CHUNK), (1, 0, 2))
    partial = _sc_aggregate(h, ei_chunks)

    n_extra = E_HPAD - N_EDGES
    srcp = jnp.concatenate(
        [edge_index[0], jnp.zeros((n_extra,), edge_index.dtype)]
    ).reshape(E_HPAD // 128, 128)
    dstp = jnp.concatenate(
        [edge_index[1], jnp.full((n_extra,), TRASH_BIN, edge_index.dtype)]
    ).reshape(E_HPAD // 128, 128)
    cnt, flag = _tc_hist(srcp, dstp)
    cnt_flat = cnt.reshape(N_PAD, 1)

    h_pad = jnp.pad(h, ((0, N_PAD - N_NODES), (0, 0)))
    Wt_flat = W_task.reshape(CENTER_NUM * N_CLASSES, D)
    out = _tc_dense(partial, cnt_flat, flag, h_pad, W_structure, Wt_flat)
    return out[:N_NODES]

# --- scband reference (transcript-rebuilt; emitter-appended) ---
"""Pipeline reference for scband-gpptprompt-49478023250330 (READ-ONLY COPY).

The authoritative reference and input builder live on the scoring server;
editing this copy changes nothing except your own understanding.
"""

import jax, jax.numpy as jnp
import numpy as np

N_NODES = 10000
N_EDGES = 320000
D = 128
CENTER_NUM = 16
N_CLASSES = 40


def setup_inputs(seed: int = 0) -> dict:
    key = jax.random.key(seed)
    k1, k2, k3, k4 = jax.random.split(key, 4)
    h = jax.random.normal(k1, (N_NODES, D), dtype=jnp.float32)
    edge_index = jax.random.randint(k2, (2, N_EDGES), 0, N_NODES, dtype=jnp.int32)
    # learned parameters
    W_structure = jax.random.normal(k3, (CENTER_NUM, D), dtype=jnp.float32) * 0.05
    W_task = jax.random.normal(k4, (CENTER_NUM, N_CLASSES, D), dtype=jnp.float32) * 0.05
    return {"h": h, "edge_index": edge_index, "W_structure": W_structure, "W_task": W_task}


def _mean_conv(h, src, dst):
    num_nodes = h.shape[0]
    # add self loops if none present (PyG add_self_loops semantics)
    has_loop = jnp.any(src == dst)
    loop_w = jnp.where(has_loop, jnp.float32(0.0), jnp.float32(1.0))
    loops = jnp.arange(num_nodes, dtype=src.dtype)
    src2 = jnp.concatenate([src, loops])
    dst2 = jnp.concatenate([dst, loops])
    w = jnp.concatenate([
        jnp.ones_like(src, dtype=h.dtype),
        jnp.full((num_nodes,), loop_w, dtype=h.dtype),
    ])
    msg = h[src2] * w[:, None]  # gather x_j (loop entries zeroed when loops already exist)
    summed = jax.ops.segment_sum(msg, dst2, num_segments=num_nodes)
    cnt = jax.ops.segment_sum(w, dst2, num_segments=num_nodes)
    return summed / jnp.maximum(cnt, 1.0)[:, None]


def reference(h, edge_index, W_structure, W_task):
    src = edge_index[0]
    dst = edge_index[1]
    hm = _mean_conv(h, src, dst)          # SimpleMeanConv (aggr='mean')
    logits = hm @ W_structure.T           # StructureToken(h) -> [N, center_num]
    index = jnp.argmax(logits, axis=1)    # per-node cluster/expert assignment
    Wt = W_task[index]                    # gather expert weights [N, n_classes, D]
    out = jnp.einsum('nd,ncd->nc', hm, Wt)  # TaskToken[index[i]](h[i])
    return out

if __name__ == "__main__":
    import jax
    _d = setup_inputs()
    print(jax.jit(kernel)(*tuple(_d.values())))

</pallas_src>

<mosaic_0001>
#map = affine_map<(d0, d1) -> (0, 0)>
#map1 = affine_map<(d0, d1) -> (0, 0, 0)>
module attributes {stable_mosaic.version = 14 : i64} {
  func.func @_sc_aggregate_body(%arg0: i32, %arg1: i32, %arg2: memref<10000x128xf32, #tpu.memory_space<hbm>>, %arg3: memref<2560x2x128xi32, #tpu.memory_space<hbm>>, %arg4: memref<2x10240x128xf32, #tpu.memory_space<hbm>>, %arg5: memref<10240x128xf32, #tpu.memory_space<vmem_shared>>, %arg6: memref<2x128xi32, #tpu.memory_space<vmem>>, %arg7: memref<2x128xi32, #tpu.memory_space<vmem>>, %arg8: memref<128x128xf32, #tpu.memory_space<vmem>>, %arg9: memref<128x128xf32, #tpu.memory_space<vmem>>, %arg10: memref<64x128xf32, #tpu.memory_space<vmem>>, %arg11: memref<!tpu.dma_semaphore, #tpu.memory_space<semaphore_mem>>, %arg12: memref<!tpu.dma_semaphore, #tpu.memory_space<semaphore_mem>>) attributes {dimension_semantics = [#tpu.dimension_semantics<core_parallel>, #tpu.dimension_semantics<subcore_parallel>], iteration_bounds = array<i64: 2, 16>, scalar_prefetch = 0 : i64, scratch_operands = 8 : i64, tpu.core_type = #tpu.core_type<sc_vector_subcore>, window_params = [{transform_indices = #map}, {transform_indices = #map1}, {transform_indices = #map1}]} {
    %mul3A = arith.constant 16 : i32
    %mul3A_0 = arith.muli %arg0, %mul3A : i32
    %add3A = arith.addi %mul3A_0, %arg1 : i32
    %broadcast_in_dim3A = arith.constant 0.000000e+00 : f32
    %broadcast_in_dim3A_1 = vector.broadcast %broadcast_in_dim3A : f32 to vector<16xf32>
    %scan3A = arith.constant 0 : i32
    %scan3A_2 = arith.constant 0 : i32
    %scan3A_3 = arith.constant 64 : i32
    %scan3A_4 = arith.addi %scan3A_2, %scan3A_3 : i32
    %scan3A_5 = arith.constant 1 : i32
    scf.for %scan3A_36 = %scan3A_2 to %scan3A_4 step %scan3A_5  : i32 {
      %swap3A = arith.index_cast %scan3A_36 : i32 to index
      %swap3A_37 = arith.constant 0 : index
      %swap3A_38 = tpu.vector_load %arg10[%swap3A, %swap3A_37] {strides = array<i32>} : memref<64x128xf32, #tpu.memory_space<vmem>>, vector<1x16xf32>,
      %swap3A_39 = vector.shape_cast %swap3A_38 : vector<1x16xf32> to vector<16xf32>
      %swap3A_40 = vector.shape_cast %broadcast_in_dim3A_1 : vector<16xf32> to vector<1x16xf32>
      tpu.vector_store %arg10[%swap3A, %swap3A_37], %swap3A_40 {strides = array<i32>} : memref<64x128xf32, #tpu.memory_space<vmem>>, vector<1x16xf32>,
      %swap3A_41 = arith.index_cast %scan3A_36 : i32 to index
      %swap3A_42 = arith.constant 16 : index
      %swap3A_43 = tpu.vector_load %arg10[%swap3A_41, %swap3A_42] {strides = array<i32>} : memref<64x128xf32, #tpu.memory_space<vmem>>, vector<1x16xf32>,
      %swap3A_44 = vector.shape_cast %swap3A_43 : vector<1x16xf32> to vector<16xf32>
      %swap3A_45 = vector.shape_cast %broadcast_in_dim3A_1 : vector<16xf32> to vector<1x16xf32>
      tpu.vector_store %arg10[%swap3A_41, %swap3A_42], %swap3A_45 {strides = array<i32>} : memref<64x128xf32, #tpu.memory_space<vmem>>, vector<1x16xf32>,
      %swap3A_46 = arith.index_cast %scan3A_36 : i32 to index
      %swap3A_47 = arith.constant 32 : index
      %swap3A_48 = tpu.vector_load %arg10[%swap3A_46, %swap3A_47] {strides = array<i32>} : memref<64x128xf32, #tpu.memory_space<vmem>>, vector<1x16xf32>,
      %swap3A_49 = vector.shape_cast %swap3A_48 : vector<1x16xf32> to vector<16xf32>
      %swap3A_50 = vector.shape_cast %broadcast_in_dim3A_1 : vector<16xf32> to vector<1x16xf32>
      tpu.vector_store %arg10[%swap3A_46, %swap3A_47], %swap3A_50 {strides = array<i32>} : memref<64x128xf32, #tpu.memory_space<vmem>>, vector<1x16xf32>,
      %swap3A_51 = arith.index_cast %scan3A_36 : i32 to index
      %swap3A_52 = arith.constant 48 : index
      %swap3A_53 = tpu.vector_load %arg10[%swap3A_51, %swap3A_52] {strides = array<i32>} : memref<64x128xf32, #tpu.memory_space<vmem>>, vector<1x16xf32>,
      %swap3A_54 = vector.shape_cast %swap3A_53 : vector<1x16xf32> to vector<16xf32>
      %swap3A_55 = vector.shape_cast %broadcast_in_dim3A_1 : vector<16xf32> to vector<1x16xf32>
      tpu.vector_store %arg10[%swap3A_51, %swap3A_52], %swap3A_55 {strides = array<i32>} : memref<64x128xf32, #tpu.memory_space<vmem>>, vector<1x16xf32>,
      %swap3A_56 = arith.index_cast %scan3A_36 : i32 to index
      %swap3A_57 = arith.constant 64 : index
      %swap3A_58 = tpu.vector_load %arg10[%swap3A_56, %swap3A_57] {strides = array<i32>} : memref<64x128xf32, #tpu.memory_space<vmem>>, vector<1x16xf32>,
      %swap3A_59 = vector.shape_cast %swap3A_58 : vector<1x16xf32> to vector<16xf32>
      %swap3A_60 = vector.shape_cast %broadcast_in_dim3A_1 : vector<16xf32> to vector<1x16xf32>
      tpu.vector_store %arg10[%swap3A_56, %swap3A_57], %swap3A_60 {strides = array<i32>} : memref<64x128xf32, #tpu.memory_space<vmem>>, vector<1x16xf32>,
      %swap3A_61 = arith.index_cast %scan3A_36 : i32 to index
      %swap3A_62 = arith.constant 80 : index
      %swap3A_63 = tpu.vector_load %arg10[%swap3A_61, %swap3A_62] {strides = array<i32>} : memref<64x128xf32, #tpu.memory_space<vmem>>, vector<1x16xf32>,
      %swap3A_64 = vector.shape_cast %swap3A_63 : vector<1x16xf32> to vector<16xf32>
      %swap3A_65 = vector.shape_cast %broadcast_in_dim3A_1 : vector<16xf32> to vector<1x16xf32>
      tpu.vector_store %arg10[%swap3A_61, %swap3A_62], %swap3A_65 {strides = array<i32>} : memref<64x128xf32, #tpu.memory_space<vmem>>, vector<1x16xf32>,
      %swap3A_66 = arith.index_cast %scan3A_36 : i32 to index
      %swap3A_67 = arith.constant 96 : index
      %swap3A_68 = tpu.vector_load %arg10[%swap3A_66, %swap3A_67] {strides = array<i32>} : memref<64x128xf32, #tpu.memory_space<vmem>>, vector<1x16xf32>,
      %swap3A_69 = vector.shape_cast %swap3A_68 : vector<1x16xf32> to vector<16xf32>
      %swap3A_70 = vector.shape_cast %broadcast_in_dim3A_1 : vector<16xf32> to vector<1x16xf32>
      tpu.vector_store %arg10[%swap3A_66, %swap3A_67], %swap3A_70 {strides = array<i32>} : memref<64x128xf32, #tpu.memory_space<vmem>>, vector<1x16xf32>,
      %swap3A_71 = arith.index_cast %scan3A_36 : i32 to index
      %swap3A_72 = arith.constant 112 : index
      %swap3A_73 = tpu.vector_load %arg10[%swap3A_71, %swap3A_72] {strides = array<i32>} : memref<64x128xf32, #tpu.memory_space<vmem>>, vector<1x16xf32>,
      %swap3A_74 = vector.shape_cast %swap3A_73 : vector<1x16xf32> to vector<16xf32>
      %swap3A_75 = vector.shape_cast %broadcast_in_dim3A_1 : vector<16xf32> to vector<1x16xf32>
      tpu.vector_store %arg10[%swap3A_71, %swap3A_72], %swap3A_75 {strides = array<i32>} : memref<64x128xf32, #tpu.memory_space<vmem>>, vector<1x16xf32>,
    }
    %scan3A_6 = arith.constant 64 : i32
    %mul3A_7 = arith.constant 640 : i32
    %mul3A_8 = arith.muli %arg1, %mul3A_7 : i32
    %add3A_9 = arith.constant 0 : i32
    %add3A_10 = arith.addi %mul3A_8, %add3A_9 : i32
    "tpu.region"() ({
      %run_scoped3A = tpu.sem_alloc : memref<!tpu.dma_semaphore, #tpu.memory_space<semaphore_mem>>
      %dma_start3A = arith.constant 0 : i32
      %dma_start3A_36 = tpu.memref_slice %arg5[%add3A_10, %dma_start3A] : memref<10240x128xf32, #tpu.memory_space<vmem_shared>> -> memref<64x128xf32, #tpu.memory_space<vmem_shared>>
      %dma_start3A_37 = arith.constant 0 : i32
      %dma_start3A_38 = tpu.memref_slice %arg5[%add3A_10, %dma_start3A_37] : memref<10240x128xf32, #tpu.memory_space<vmem_shared>> -> memref<64x128xf32, #tpu.memory_space<vmem_shared>>
      tpu.enqueue_dma source(%arg10 : memref<64x128xf32, #tpu.memory_space<vmem>>) target(%dma_start3A_38 : memref<64x128xf32, #tpu.memory_space<vmem_shared>>) target_semaphore(%run_scoped3A : memref<!tpu.dma_semaphore, #tpu.memory_space<semaphore_mem>>)
      %dma_wait3A = arith.constant 0 : i32
      %dma_wait3A_39 = tpu.memref_slice %arg5[%add3A_10, %dma_wait3A] : memref<10240x128xf32, #tpu.memory_space<vmem_shared>> -> memref<64x128xf32, #tpu.memory_space<vmem_shared>>
      %dma_wait3A_40 = arith.constant 0 : i32
      %dma_wait3A_41 = tpu.memref_slice %arg5[%add3A_10, %dma_wait3A_40] : memref<10240x128xf32, #tpu.memory_space<vmem_shared>> -> memref<64x128xf32, #tpu.memory_space<vmem_shared>>
      tpu.wait_dma2 semaphore(%run_scoped3A : memref<!tpu.dma_semaphore, #tpu.memory_space<semaphore_mem>>) src(%arg10 : memref<64x128xf32, #tpu.memory_space<vmem>>) dst(%dma_wait3A_41 : memref<64x128xf32, #tpu.memory_space<vmem_shared>>)
      tpu.yield
    }) : () -> ()
    %add3A_11 = arith.constant 64 : i32
    %add3A_12 = arith.addi %mul3A_8, %add3A_11 : i32
    "tpu.region"() ({
      %run_scoped3A = tpu.sem_alloc : memref<!tpu.dma_semaphore, #tpu.memory_space<semaphore_mem>>
      %dma_start3A = arith.constant 0 : i32
      %dma_start3A_36 = tpu.memref_slice %arg5[%add3A_12, %dma_start3A] : memref<10240x128xf32, #tpu.memory_space<vmem_shared>> -> memref<64x128xf32, #tpu.memory_space<vmem_shared>>
      %dma_start3A_37 = arith.constant 0 : i32
      %dma_start3A_38 = tpu.memref_slice %arg5[%add3A_12, %dma_start3A_37] : memref<10240x128xf32, #tpu.memory_space<vmem_shared>> -> memref<64x128xf32, #tpu.memory_space<vmem_shared>>
      tpu.enqueue_dma source(%arg10 : memref<64x128xf32, #tpu.memory_space<vmem>>) target(%dma_start3A_38 : memref<64x128xf32, #tpu.memory_space<vmem_shared>>) target_semaphore(%run_scoped3A : memref<!tpu.dma_semaphore, #tpu.memory_space<semaphore_mem>>)
      %dma_wait3A = arith.constant 0 : i32
      %dma_wait3A_39 = tpu.memref_slice %arg5[%add3A_12, %dma_wait3A] : memref<10240x128xf32, #tpu.memory_space<vmem_shared>> -> memref<64x128xf32, #tpu.memory_space<vmem_shared>>
      %dma_wait3A_40 = arith.constant 0 : i32
      %dma_wait3A_41 = tpu.memref_slice %arg5[%add3A_12, %dma_wait3A_40] : memref<10240x128xf32, #tpu.memory_space<vmem_shared>> -> memref<64x128xf32, #tpu.memory_space<vmem_shared>>
      tpu.wait_dma2 semaphore(%run_scoped3A : memref<!tpu.dma_semaphore, #tpu.memory_space<semaphore_mem>>) src(%arg10 : memref<64x128xf32, #tpu.memory_space<vmem>>) dst(%dma_wait3A_41 : memref<64x128xf32, #tpu.memory_space<vmem_shared>>)
      tpu.yield
    }) : () -> ()
    %add3A_13 = arith.constant 128 : i32
    %add3A_14 = arith.addi %mul3A_8, %add3A_13 : i32
    "tpu.region"() ({
      %run_scoped3A = tpu.sem_alloc : memref<!tpu.dma_semaphore, #tpu.memory_space<semaphore_mem>>
      %dma_start3A = arith.constant 0 : i32
      %dma_start3A_36 = tpu.memref_slice %arg5[%add3A_14, %dma_start3A] : memref<10240x128xf32, #tpu.memory_space<vmem_shared>> -> memref<64x128xf32, #tpu.memory_space<vmem_shared>>
      %dma_start3A_37 = arith.constant 0 : i32
      %dma_start3A_38 = tpu.memref_slice %arg5[%add3A_14, %dma_start3A_37] : memref<10240x128xf32, #tpu.memory_space<vmem_shared>> -> memref<64x128xf32, #tpu.memory_space<vmem_shared>>
      tpu.enqueue_dma source(%arg10 : memref<64x128xf32, #tpu.memory_space<vmem>>) target(%dma_start3A_38 : memref<64x128xf32, #tpu.memory_space<vmem_shared>>) target_semaphore(%run_scoped3A : memref<!tpu.dma_semaphore, #tpu.memory_space<semaphore_mem>>)
      %dma_wait3A = arith.constant 0 : i32
      %dma_wait3A_39 = tpu.memref_slice %arg5[%add3A_14, %dma_wait3A] : memref<10240x128xf32, #tpu.memory_space<vmem_shared>> -> memref<64x128xf32, #tpu.memory_space<vmem_shared>>
      %dma_wait3A_40 = arith.constant 0 : i32
      %dma_wait3A_41 = tpu.memref_slice %arg5[%add3A_14, %dma_wait3A_40] : memref<10240x128xf32, #tpu.memory_space<vmem_shared>> -> memref<64x128xf32, #tpu.memory_space<vmem_shared>>
      tpu.wait_dma2 semaphore(%run_scoped3A : memref<!tpu.dma_semaphore, #tpu.memory_space<semaphore_mem>>) src(%arg10 : memref<64x128xf32, #tpu.memory_space<vmem>>) dst(%dma_wait3A_41 : memref<64x128xf32, #tpu.memory_space<vmem_shared>>)
      tpu.yield
    }) : () -> ()
    %add3A_15 = arith.constant 192 : i32
    %add3A_16 = arith.addi %mul3A_8, %add3A_15 : i32
    "tpu.region"() ({
      %run_scoped3A = tpu.sem_alloc : memref<!tpu.dma_semaphore, #tpu.memory_space<semaphore_mem>>
      %dma_start3A = arith.constant 0 : i32
      %dma_start3A_36 = tpu.memref_slice %arg5[%add3A_16, %dma_start3A] : memref<10240x128xf32, #tpu.memory_space<vmem_shared>> -> memref<64x128xf32, #tpu.memory_space<vmem_shared>>
      %dma_start3A_37 = arith.constant 0 : i32
      %dma_start3A_38 = tpu.memref_slice %arg5[%add3A_16, %dma_start3A_37] : memref<10240x128xf32, #tpu.memory_space<vmem_shared>> -> memref<64x128xf32, #tpu.memory_space<vmem_shared>>
      tpu.enqueue_dma source(%arg10 : memref<64x128xf32, #tpu.memory_space<vmem>>) target(%dma_start3A_38 : memref<64x128xf32, #tpu.memory_space<vmem_shared>>) target_semaphore(%run_scoped3A : memref<!tpu.dma_semaphore, #tpu.memory_space<semaphore_mem>>)
      %dma_wait3A = arith.constant 0 : i32
      %dma_wait3A_39 = tpu.memref_slice %arg5[%add3A_16, %dma_wait3A] : memref<10240x128xf32, #tpu.memory_space<vmem_shared>> -> memref<64x128xf32, #tpu.memory_space<vmem_shared>>
      %dma_wait3A_40 = arith.constant 0 : i32
      %dma_wait3A_41 = tpu.memref_slice %arg5[%add3A_16, %dma_wait3A_40] : memref<10240x128xf32, #tpu.memory_space<vmem_shared>> -> memref<64x128xf32, #tpu.memory_space<vmem_shared>>
      tpu.wait_dma2 semaphore(%run_scoped3A : memref<!tpu.dma_semaphore, #tpu.memory_space<semaphore_mem>>) src(%arg10 : memref<64x128xf32, #tpu.memory_space<vmem>>) dst(%dma_wait3A_41 : memref<64x128xf32, #tpu.memory_space<vmem_shared>>)
      tpu.yield
    }) : () -> ()
    %add3A_17 = arith.constant 256 : i32
    %add3A_18 = arith.addi %mul3A_8, %add3A_17 : i32
    "tpu.region"() ({
      %run_scoped3A = tpu.sem_alloc : memref<!tpu.dma_semaphore, #tpu.memory_space<semaphore_mem>>
      %dma_start3A = arith.constant 0 : i32
      %dma_start3A_36 = tpu.memref_slice %arg5[%add3A_18, %dma_start3A] : memref<10240x128xf32, #tpu.memory_space<vmem_shared>> -> memref<64x128xf32, #tpu.memory_space<vmem_shared>>
      %dma_start3A_37 = arith.constant 0 : i32
      %dma_start3A_38 = tpu.memref_slice %arg5[%add3A_18, %dma_start3A_37] : memref<10240x128xf32, #tpu.memory_space<vmem_shared>> -> memref<64x128xf32, #tpu.memory_space<vmem_shared>>
      tpu.enqueue_dma source(%arg10 : memref<64x128xf32, #tpu.memory_space<vmem>>) target(%dma_start3A_38 : memref<64x128xf32, #tpu.memory_space<vmem_shared>>) target_semaphore(%run_scoped3A : memref<!tpu.dma_semaphore, #tpu.memory_space<semaphore_mem>>)
      %dma_wait3A = arith.constant 0 : i32
      %dma_wait3A_39 = tpu.memref_slice %arg5[%add3A_18, %dma_wait3A] : memref<10240x128xf32, #tpu.memory_space<vmem_shared>> -> memref<64x128xf32, #tpu.memory_space<vmem_shared>>
      %dma_wait3A_40 = arith.constant 0 : i32
      %dma_wait3A_41 = tpu.memref_slice %arg5[%add3A_18, %dma_wait3A_40] : memref<10240x128xf32, #tpu.memory_space<vmem_shared>> -> memref<64x128xf32, #tpu.memory_space<vmem_shared>>
      tpu.wait_dma2 semaphore(%run_scoped3A : memref<!tpu.dma_semaphore, #tpu.memory_space<semaphore_mem>>) src(%arg10 : memref<64x128xf32, #tpu.memory_space<vmem>>) dst(%dma_wait3A_41 : memref<64x128xf32, #tpu.memory_space<vmem_shared>>)
      tpu.yield
    }) : () -> ()
    %add3A_19 = arith.constant 320 : i32
    %add3A_20 = arith.addi %mul3A_8, %add3A_19 : i32
    "tpu.region"() ({
      %run_scoped3A = tpu.sem_alloc : memref<!tpu.dma_semaphore, #tpu.memory_space<semaphore_mem>>
      %dma_start3A = arith.constant 0 : i32
      %dma_start3A_36 = tpu.memref_slice %arg5[%add3A_20, %dma_start3A] : memref<10240x128xf32, #tpu.memory_space<vmem_shared>> -> memref<64x128xf32, #tpu.memory_space<vmem_shared>>
      %dma_start3A_37 = arith.constant 0 : i32
      %dma_start3A_38 = tpu.memref_slice %arg5[%add3A_20, %dma_start3A_37] : memref<10240x128xf32, #tpu.memory_space<vmem_shared>> -> memref<64x128xf32, #tpu.memory_space<vmem_shared>>
      tpu.enqueue_dma source(%arg10 : memref<64x128xf32, #tpu.memory_space<vmem>>) target(%dma_start3A_38 : memref<64x128xf32, #tpu.memory_space<vmem_shared>>) target_semaphore(%run_scoped3A : memref<!tpu.dma_semaphore, #tpu.memory_space<semaphore_mem>>)
      %dma_wait3A = arith.constant 0 : i32
      %dma_wait3A_39 = tpu.memref_slice %arg5[%add3A_20, %dma_wait3A] : memref<10240x128xf32, #tpu.memory_space<vmem_shared>> -> memref<64x128xf32, #tpu.memory_space<vmem_shared>>
      %dma_wait3A_40 = arith.constant 0 : i32
      %dma_wait3A_41 = tpu.memref_slice %arg5[%add3A_20, %dma_wait3A_40] : memref<10240x128xf32, #tpu.memory_space<vmem_shared>> -> memref<64x128xf32, #tpu.memory_space<vmem_shared>>
      tpu.wait_dma2 semaphore(%run_scoped3A : memref<!tpu.dma_semaphore, #tpu.memory_space<semaphore_mem>>) src(%arg10 : memref<64x128xf32, #tpu.memory_space<vmem>>) dst(%dma_wait3A_41 : memref<64x128xf32, #tpu.memory_space<vmem_shared>>)
      tpu.yield
    }) : () -> ()
    %add3A_21 = arith.constant 384 : i32
    %add3A_22 = arith.addi %mul3A_8, %add3A_21 : i32
    "tpu.region"() ({
      %run_scoped3A = tpu.sem_alloc : memref<!tpu.dma_semaphore, #tpu.memory_space<semaphore_mem>>
      %dma_start3A = arith.constant 0 : i32
      %dma_start3A_36 = tpu.memref_slice %arg5[%add3A_22, %dma_start3A] : memref<10240x128xf32, #tpu.memory_space<vmem_shared>> -> memref<64x128xf32, #tpu.memory_space<vmem_shared>>
      %dma_start3A_37 = arith.constant 0 : i32
      %dma_start3A_38 = tpu.memref_slice %arg5[%add3A_22, %dma_start3A_37] : memref<10240x128xf32, #tpu.memory_space<vmem_shared>> -> memref<64x128xf32, #tpu.memory_space<vmem_shared>>
      tpu.enqueue_dma source(%arg10 : memref<64x128xf32, #tpu.memory_space<vmem>>) target(%dma_start3A_38 : memref<64x128xf32, #tpu.memory_space<vmem_shared>>) target_semaphore(%run_scoped3A : memref<!tpu.dma_semaphore, #tpu.memory_space<semaphore_mem>>)
      %dma_wait3A = arith.constant 0 : i32
      %dma_wait3A_39 = tpu.memref_slice %arg5[%add3A_22, %dma_wait3A] : memref<10240x128xf32, #tpu.memory_space<vmem_shared>> -> memref<64x128xf32, #tpu.memory_space<vmem_shared>>
      %dma_wait3A_40 = arith.constant 0 : i32
      %dma_wait3A_41 = tpu.memref_slice %arg5[%add3A_22, %dma_wait3A_40] : memref<10240x128xf32, #tpu.memory_space<vmem_shared>> -> memref<64x128xf32, #tpu.memory_space<vmem_shared>>
      tpu.wait_dma2 semaphore(%run_scoped3A : memref<!tpu.dma_semaphore, #tpu.memory_space<semaphore_mem>>) src(%arg10 : memref<64x128xf32, #tpu.memory_space<vmem>>) dst(%dma_wait3A_41 : memref<64x128xf32, #tpu.memory_space<vmem_shared>>)
      tpu.yield
    }) : () -> ()
    %add3A_23 = arith.constant 448 : i32
    %add3A_24 = arith.addi %mul3A_8, %add3A_23 : i32
    "tpu.region"() ({
      %run_scoped3A = tpu.sem_alloc : memref<!tpu.dma_semaphore, #tpu.memory_space<semaphore_mem>>
      %dma_start3A = arith.constant 0 : i32
      %dma_start3A_36 = tpu.memref_slice %arg5[%add3A_24, %dma_start3A] : memref<10240x128xf32, #tpu.memory_space<vmem_shared>> -> memref<64x128xf32, #tpu.memory_space<vmem_shared>>
      %dma_start3A_37 = arith.constant 0 : i32
      %dma_start3A_38 = tpu.memref_slice %arg5[%add3A_24, %dma_start3A_37] : memref<10240x128xf32, #tpu.memory_space<vmem_shared>> -> memref<64x128xf32, #tpu.memory_space<vmem_shared>>
      tpu.enqueue_dma source(%arg10 : memref<64x128xf32, #tpu.memory_space<vmem>>) target(%dma_start3A_38 : memref<64x128xf32, #tpu.memory_space<vmem_shared>>) target_semaphore(%run_scoped3A : memref<!tpu.dma_semaphore, #tpu.memory_space<semaphore_mem>>)
      %dma_wait3A = arith.constant 0 : i32
      %dma_wait3A_39 = tpu.memref_slice %arg5[%add3A_24, %dma_wait3A] : memref<10240x128xf32, #tpu.memory_space<vmem_shared>> -> memref<64x128xf32, #tpu.memory_space<vmem_shared>>
      %dma_wait3A_40 = arith.constant 0 : i32
      %dma_wait3A_41 = tpu.memref_slice %arg5[%add3A_24, %dma_wait3A_40] : memref<10240x128xf32, #tpu.memory_space<vmem_shared>> -> memref<64x128xf32, #tpu.memory_space<vmem_shared>>
      tpu.wait_dma2 semaphore(%run_scoped3A : memref<!tpu.dma_semaphore, #tpu.memory_space<semaphore_mem>>) src(%arg10 : memref<64x128xf32, #tpu.memory_space<vmem>>) dst(%dma_wait3A_41 : memref<64x128xf32, #tpu.memory_space<vmem_shared>>)
      tpu.yield
    }) : () -> ()
    %add3A_25 = arith.constant 512 : i32
    %add3A_26 = arith.addi %mul3A_8, %add3A_25 : i32
    "tpu.region"() ({
      %run_scoped3A = tpu.sem_alloc : memref<!tpu.dma_semaphore, #tpu.memory_space<semaphore_mem>>
      %dma_start3A = arith.constant 0 : i32
      %dma_start3A_36 = tpu.memref_slice %arg5[%add3A_26, %dma_start3A] : memref<10240x128xf32, #tpu.memory_space<vmem_shared>> -> memref<64x128xf32, #tpu.memory_space<vmem_shared>>
      %dma_start3A_37 = arith.constant 0 : i32
      %dma_start3A_38 = tpu.memref_slice %arg5[%add3A_26, %dma_start3A_37] : memref<10240x128xf32, #tpu.memory_space<vmem_shared>> -> memref<64x128xf32, #tpu.memory_space<vmem_shared>>
      tpu.enqueue_dma source(%arg10 : memref<64x128xf32, #tpu.memory_space<vmem>>) target(%dma_start3A_38 : memref<64x128xf32, #tpu.memory_space<vmem_shared>>) target_semaphore(%run_scoped3A : memref<!tpu.dma_semaphore, #tpu.memory_space<semaphore_mem>>)
      %dma_wait3A = arith.constant 0 : i32
      %dma_wait3A_39 = tpu.memref_slice %arg5[%add3A_26, %dma_wait3A] : memref<10240x128xf32, #tpu.memory_space<vmem_shared>> -> memref<64x128xf32, #tpu.memory_space<vmem_shared>>
      %dma_wait3A_40 = arith.constant 0 : i32
      %dma_wait3A_41 = tpu.memref_slice %arg5[%add3A_26, %dma_wait3A_40] : memref<10240x128xf32, #tpu.memory_space<vmem_shared>> -> memref<64x128xf32, #tpu.memory_space<vmem_shared>>
      tpu.wait_dma2 semaphore(%run_scoped3A : memref<!tpu.dma_semaphore, #tpu.memory_space<semaphore_mem>>) src(%arg10 : memref<64x128xf32, #tpu.memory_space<vmem>>) dst(%dma_wait3A_41 : memref<64x128xf32, #tpu.memory_space<vmem_shared>>)
      tpu.yield
    }) : () -> ()
    %add3A_27 = arith.constant 576 : i32
    %add3A_28 = arith.addi %mul3A_8, %add3A_27 : i32
    "tpu.region"() ({
      %run_scoped3A = tpu.sem_alloc : memref<!tpu.dma_semaphore, #tpu.memory_space<semaphore_mem>>
      %dma_start3A = arith.constant 0 : i32
      %dma_start3A_36 = tpu.memref_slice %arg5[%add3A_28, %dma_start3A] : memref<10240x128xf32, #tpu.memory_space<vmem_shared>> -> memref<64x128xf32, #tpu.memory_space<vmem_shared>>
      %dma_start3A_37 = arith.constant 0 : i32
      %dma_start3A_38 = tpu.memref_slice %arg5[%add3A_28, %dma_start3A_37] : memref<10240x128xf32, #tpu.memory_space<vmem_shared>> -> memref<64x128xf32, #tpu.memory_space<vmem_shared>>
      tpu.enqueue_dma source(%arg10 : memref<64x128xf32, #tpu.memory_space<vmem>>) target(%dma_start3A_38 : memref<64x128xf32, #tpu.memory_space<vmem_shared>>) target_semaphore(%run_scoped3A : memref<!tpu.dma_semaphore, #tpu.memory_space<semaphore_mem>>)
      %dma_wait3A = arith.constant 0 : i32
      %dma_wait3A_39 = tpu.memref_slice %arg5[%add3A_28, %dma_wait3A] : memref<10240x128xf32, #tpu.memory_space<vmem_shared>> -> memref<64x128xf32, #tpu.memory_space<vmem_shared>>
      %dma_wait3A_40 = arith.constant 0 : i32
      %dma_wait3A_41 = tpu.memref_slice %arg5[%add3A_28, %dma_wait3A_40] : memref<10240x128xf32, #tpu.memory_space<vmem_shared>> -> memref<64x128xf32, #tpu.memory_space<vmem_shared>>
      tpu.wait_dma2 semaphore(%run_scoped3A : memref<!tpu.dma_semaphore, #tpu.memory_space<semaphore_mem>>) src(%arg10 : memref<64x128xf32, #tpu.memory_space<vmem>>) dst(%dma_wait3A_41 : memref<64x128xf32, #tpu.memory_space<vmem_shared>>)
      tpu.yield
    }) : () -> ()
    %barrier3A = arith.constant 0 : index
    tpu.barrier barrier_id(%barrier3A)
    %scan3A_29 = arith.constant 0 : i32
    %scan3A_30 = arith.constant 0 : i32
    %scan3A_31 = arith.constant 20 : i32
    %scan3A_32 = arith.addi %scan3A_30, %scan3A_31 : i32
    %scan3A_33 = arith.constant 1 : i32
    scf.for %scan3A_36 = %scan3A_30 to %scan3A_32 step %scan3A_33  : i32 {
      %mul3A_37 = arith.constant 4 : i32
      %mul3A_38 = arith.muli %mul3A_37, %scan3A_36 : i32
      %mul3A_39 = arith.constant 32 : i32
      %mul3A_40 = arith.muli %mul3A_39, %mul3A_38 : i32
      %add3A_41 = arith.addi %add3A, %mul3A_40 : i32
      %add3A_42 = arith.constant 32 : i32
      %add3A_43 = arith.addi %add3A_41, %add3A_42 : i32
      %add3A_44 = arith.constant 32 : i32
      %add3A_45 = arith.addi %add3A_43, %add3A_44 : i32
      %add3A_46 = arith.constant 32 : i32
      %add3A_47 = arith.addi %add3A_45, %add3A_46 : i32
      "tpu.region"() ({
        %run_scoped3A_105 = tpu.sem_alloc : memref<!tpu.dma_semaphore, #tpu.memory_space<semaphore_mem>>
        %dma_start3A_106 = arith.constant 0 : i32
        %dma_start3A_107 = arith.constant 0 : i32
        %dma_start3A_108 = tpu.memref_slice %arg3[%add3A_41, %dma_start3A_106, %dma_start3A_107] : memref<2560x2x128xi32, #tpu.memory_space<hbm>> -> memref<1x2x128xi32, #tpu.memory_space<hbm>>
        %dma_start3A_109 = tpu.memref_squeeze %dma_start3A_108 : memref<1x2x128xi32, #tpu.memory_space<hbm>> -> memref<2x128xi32, #tpu.memory_space<hbm>>
        %dma_start3A_110 = arith.constant 0 : i32
        %dma_start3A_111 = arith.constant 0 : i32
        %dma_start3A_112 = tpu.memref_slice %arg3[%add3A_41, %dma_start3A_110, %dma_start3A_111] : memref<2560x2x128xi32, #tpu.memory_space<hbm>> -> memref<1x2x128xi32, #tpu.memory_space<hbm>>
        %dma_start3A_113 = tpu.memref_squeeze %dma_start3A_112 : memref<1x2x128xi32, #tpu.memory_space<hbm>> -> memref<2x128xi32, #tpu.memory_space<hbm>>
        tpu.enqueue_dma source(%dma_start3A_113 : memref<2x128xi32, #tpu.memory_space<hbm>>) target(%arg6 : memref<2x128xi32, #tpu.memory_space<vmem>>) target_semaphore(%run_scoped3A_105 : memref<!tpu.dma_semaphore, #tpu.memory_space<semaphore_mem>>)
        %dma_wait3A_114 = arith.constant 0 : i32
        %dma_wait3A_115 = arith.constant 0 : i32
        %dma_wait3A_116 = tpu.memref_slice %arg3[%add3A_41, %dma_wait3A_114, %dma_wait3A_115] : memref<2560x2x128xi32, #tpu.memory_space<hbm>> -> memref<1x2x128xi32, #tpu.memory_space<hbm>>
        %dma_wait3A_117 = tpu.memref_squeeze %dma_wait3A_116 : memref<1x2x128xi32, #tpu.memory_space<hbm>> -> memref<2x128xi32, #tpu.memory_space<hbm>>
        %dma_wait3A_118 = arith.constant 0 : i32
        %dma_wait3A_119 = arith.constant 0 : i32
        %dma_wait3A_120 = tpu.memref_slice %arg3[%add3A_41, %dma_wait3A_118, %dma_wait3A_119] : memref<2560x2x128xi32, #tpu.memory_space<hbm>> -> memref<1x2x128xi32, #tpu.memory_space<hbm>>
        %dma_wait3A_121 = tpu.memref_squeeze %dma_wait3A_120 : memref<1x2x128xi32, #tpu.memory_space<hbm>> -> memref<2x128xi32, #tpu.memory_space<hbm>>
        tpu.wait_dma2 semaphore(%run_scoped3A_105 : memref<!tpu.dma_semaphore, #tpu.memory_space<semaphore_mem>>) src(%dma_wait3A_121 : memref<2x128xi32, #tpu.memory_space<hbm>>) dst(%arg6 : memref<2x128xi32, #tpu.memory_space<vmem>>)
        tpu.yield
      }) : () -> ()
      %dma_start3A = arith.constant 0 : i32
      %dma_start3A_48 = arith.constant 0 : i32
      %dma_start3A_49 = tpu.memref_slice %arg6[%dma_start3A, %dma_start3A_48] : memref<2x128xi32, #tpu.memory_space<vmem>> -> memref<1x128xi32, #tpu.memory_space<vmem>>
      %dma_start3A_50 = tpu.memref_squeeze %dma_start3A_49 : memref<1x128xi32, #tpu.memory_space<vmem>> -> memref<128xi32, #tpu.memory_space<vmem>>
      %dma_start3A_51 = arith.constant 0 : i32
      %dma_start3A_52 = arith.constant 0 : i32
      %dma_start3A_53 = tpu.memref_slice %arg2[%dma_start3A_51, %dma_start3A_52] : memref<10000x128xf32, #tpu.memory_space<hbm>> -> memref<10000x128xf32, #tpu.memory_space<hbm>>
      tpu.enqueue_indirect_dma source(%dma_start3A_53 : memref<10000x128xf32, #tpu.memory_space<hbm>>) target(%arg8 : memref<128x128xf32, #tpu.memory_space<vmem>>) offsets(%dma_start3A_50 : memref<128xi32, #tpu.memory_space<vmem>>) semaphore(%arg11 : memref<!tpu.dma_semaphore, #tpu.memory_space<semaphore_mem>>)
      %dma_wait3A = arith.constant 0 : i32
      %dma_wait3A_54 = arith.constant 0 : i32
      %dma_wait3A_55 = tpu.memref_slice %arg6[%dma_wait3A, %dma_wait3A_54] : memref<2x128xi32, #tpu.memory_space<vmem>> -> memref<1x128xi32, #tpu.memory_space<vmem>>
      %dma_wait3A_56 = tpu.memref_squeeze %dma_wait3A_55 : memref<1x128xi32, #tpu.memory_space<vmem>> -> memref<128xi32, #tpu.memory_space<vmem>>
      %dma_wait3A_57 = arith.constant 0 : i32
      %dma_wait3A_58 = arith.constant 0 : i32
      %dma_wait3A_59 = tpu.memref_slice %arg2[%dma_wait3A_57, %dma_wait3A_58] : memref<10000x128xf32, #tpu.memory_space<hbm>> -> memref<10000x128xf32, #tpu.memory_space<hbm>>
      tpu.wait_indirect_dma semaphore(%arg11 : memref<!tpu.dma_semaphore, #tpu.memory_space<semaphore_mem>>) src(%dma_wait3A_59 : memref<10000x128xf32, #tpu.memory_space<hbm>>) dst(%arg8 : memref<128x128xf32, #tpu.memory_space<vmem>>)
      "tpu.region"() ({
        %run_scoped3A_105 = tpu.sem_alloc : memref<!tpu.dma_semaphore, #tpu.memory_space<semaphore_mem>>
        %dma_start3A_106 = arith.constant 0 : i32
        %dma_start3A_107 = arith.constant 0 : i32
        %dma_start3A_108 = tpu.memref_slice %arg3[%add3A_43, %dma_start3A_106, %dma_start3A_107] : memref<2560x2x128xi32, #tpu.memory_space<hbm>> -> memref<1x2x128xi32, #tpu.memory_space<hbm>>
        %dma_start3A_109 = tpu.memref_squeeze %dma_start3A_108 : memref<1x2x128xi32, #tpu.memory_space<hbm>> -> memref<2x128xi32, #tpu.memory_space<hbm>>
        %dma_start3A_110 = arith.constant 0 : i32
        %dma_start3A_111 = arith.constant 0 : i32
        %dma_start3A_112 = tpu.memref_slice %arg3[%add3A_43, %dma_start3A_110, %dma_start3A_111] : memref<2560x2x128xi32, #tpu.memory_space<hbm>> -> memref<1x2x128xi32, #tpu.memory_space<hbm>>
        %dma_start3A_113 = tpu.memref_squeeze %dma_start3A_112 : memref<1x2x128xi32, #tpu.memory_space<hbm>> -> memref<2x128xi32, #tpu.memory_space<hbm>>
        tpu.enqueue_dma source(%dma_start3A_113 : memref<2x128xi32, #tpu.memory_space<hbm>>) target(%arg7 : memref<2x128xi32, #tpu.memory_space<vmem>>) target_semaphore(%run_scoped3A_105 : memref<!tpu.dma_semaphore, #tpu.memory_space<semaphore_mem>>)
        %dma_wait3A_114 = arith.constant 0 : i32
        %dma_wait3A_115 = arith.constant 0 : i32
        %dma_wait3A_116 = tpu.memref_slice %arg3[%add3A_43, %dma_wait3A_114, %dma_wait3A_115] : memref<2560x2x128xi32, #tpu.memory_space<hbm>> -> memref<1x2x128xi32, #tpu.memory_space<hbm>>
        %dma_wait3A_117 = tpu.memref_squeeze %dma_wait3A_116 : memref<1x2x128xi32, #tpu.memory_space<hbm>> -> memref<2x128xi32, #tpu.memory_space<hbm>>
        %dma_wait3A_118 = arith.constant 0 : i32
        %dma_wait3A_119 = arith.constant 0 : i32
        %dma_wait3A_120 = tpu.memref_slice %arg3[%add3A_43, %dma_wait3A_118, %dma_wait3A_119] : memref<2560x2x128xi32, #tpu.memory_space<hbm>> -> memref<1x2x128xi32, #tpu.memory_space<hbm>>
        %dma_wait3A_121 = tpu.memref_squeeze %dma_wait3A_120 : memref<1x2x128xi32, #tpu.memory_space<hbm>> -> memref<2x128xi32, #tpu.memory_space<hbm>>
        tpu.wait_dma2 semaphore(%run_scoped3A_105 : memref<!tpu.dma_semaphore, #tpu.memory_space<semaphore_mem>>) src(%dma_wait3A_121 : memref<2x128xi32, #tpu.memory_space<hbm>>) dst(%arg7 : memref<2x128xi32, #tpu.memory_space<vmem>>)
        tpu.yield
      }) : () -> ()
      %dma_start3A_60 = arith.constant 0 : i32
      %dma_start3A_61 = arith.constant 0 : i32
      %dma_start3A_62 = tpu.memref_slice %arg7[%dma_start3A_60, %dma_start3A_61] : memref<2x128xi32, #tpu.memory_space<vmem>> -> memref<1x128xi32, #tpu.memory_space<vmem>>
      %dma_start3A_63 = tpu.memref_squeeze %dma_start3A_62 : memref<1x128xi32, #tpu.memory_space<vmem>> -> memref<128xi32, #tpu.memory_space<vmem>>
      %dma_start3A_64 = arith.constant 0 : i32
      %dma_start3A_65 = arith.constant 0 : i32
      %dma_start3A_66 = tpu.memref_slice %arg2[%dma_start3A_64, %dma_start3A_65] : memref<10000x128xf32, #tpu.memory_space<hbm>> -> memref<10000x128xf32, #tpu.memory_space<hbm>>
      tpu.enqueue_indirect_dma source(%dma_start3A_66 : memref<10000x128xf32, #tpu.memory_space<hbm>>) target(%arg9 : memref<128x128xf32, #tpu.memory_space<vmem>>) offsets(%dma_start3A_63 : memref<128xi32, #tpu.memory_space<vmem>>) semaphore(%arg12 : memref<!tpu.dma_semaphore, #tpu.memory_space<semaphore_mem>>)
      %run_scoped3A = arith.constant 1 : i32
      "tpu.region"() ({
        %run_scoped3A_105 = tpu.sem_alloc : memref<!tpu.dma_semaphore, #tpu.memory_space<semaphore_mem>>
        %dma_start3A_106 = arith.constant 0 : i32
        %dma_start3A_107 = tpu.memref_slice %arg6[%run_scoped3A, %dma_start3A_106] : memref<2x128xi32, #tpu.memory_space<vmem>> -> memref<1x128xi32, #tpu.memory_space<vmem>>
        %dma_start3A_108 = tpu.memref_squeeze %dma_start3A_107 : memref<1x128xi32, #tpu.memory_space<vmem>> -> memref<128xi32, #tpu.memory_space<vmem>>
        %dma_start3A_109 = arith.constant 0 : i32
        %dma_start3A_110 = arith.constant 0 : i32
        %dma_start3A_111 = tpu.memref_slice %arg5[%dma_start3A_109, %dma_start3A_110] : memref<10240x128xf32, #tpu.memory_space<vmem_shared>> -> memref<10240x128xf32, #tpu.memory_space<vmem_shared>>
        tpu.enqueue_indirect_dma source(%arg8 : memref<128x128xf32, #tpu.memory_space<vmem>>) target(%dma_start3A_111 : memref<10240x128xf32, #tpu.memory_space<vmem_shared>>) offsets(%dma_start3A_108 : memref<128xi32, #tpu.memory_space<vmem>>) semaphore(%run_scoped3A_105 : memref<!tpu.dma_semaphore, #tpu.memory_space<semaphore_mem>>) {add = true}
        %dma_wait3A_112 = arith.constant 0 : i32
        %dma_wait3A_113 = tpu.memref_slice %arg6[%run_scoped3A, %dma_wait3A_112] : memref<2x128xi32, #tpu.memory_space<vmem>> -> memref<1x128xi32, #tpu.memory_space<vmem>>
        %dma_wait3A_114 = tpu.memref_squeeze %dma_wait3A_113 : memref<1x128xi32, #tpu.memory_space<vmem>> -> memref<128xi32, #tpu.memory_space<vmem>>
        %dma_wait3A_115 = arith.constant 0 : i32
        %dma_wait3A_116 = arith.constant 0 : i32
        %dma_wait3A_117 = tpu.memref_slice %arg5[%dma_wait3A_115, %dma_wait3A_116] : memref<10240x128xf32, #tpu.memory_space<vmem_shared>> -> memref<10240x128xf32, #tpu.memory_space<vmem_shared>>
        tpu.wait_indirect_dma semaphore(%run_scoped3A_105 : memref<!tpu.dma_semaphore, #tpu.memory_space<semaphore_mem>>) src(%arg8 : memref<128x128xf32, #tpu.memory_space<vmem>>) dst(%dma_wait3A_117 : memref<10240x128xf32, #tpu.memory_space<vmem_shared>>)
        tpu.yield
      }) : () -> ()
      %dma_wait3A_67 = arith.constant 0 : i32
      %dma_wait3A_68 = arith.constant 0 : i32
      %dma_wait3A_69 = tpu.memref_slice %arg7[%dma_wait3A_67, %dma_wait3A_68] : memref<2x128xi32, #tpu.memory_space<vmem>> -> memref<1x128xi32, #tpu.memory_space<vmem>>
      %dma_wait3A_70 = tpu.memref_squeeze %dma_wait3A_69 : memref<1x128xi32, #tpu.memory_space<vmem>> -> memref<128xi32, #tpu.memory_space<vmem>>
      %dma_wait3A_71 = arith.constant 0 : i32
      %dma_wait3A_72 = arith.constant 0 : i32
      %dma_wait3A_73 = tpu.memref_slice %arg2[%dma_wait3A_71, %dma_wait3A_72] : memref<10000x128xf32, #tpu.memory_space<hbm>> -> memref<10000x128xf32, #tpu.memory_space<hbm>>
      tpu.wait_indirect_dma semaphore(%arg12 : memref<!tpu.dma_semaphore, #tpu.memory_space<semaphore_mem>>) src(%dma_wait3A_73 : memref<10000x128xf32, #tpu.memory_space<hbm>>) dst(%arg9 : memref<128x128xf32, #tpu.memory_space<vmem>>)
      "tpu.region"() ({
        %run_scoped3A_105 = tpu.sem_alloc : memref<!tpu.dma_semaphore, #tpu.memory_space<semaphore_mem>>
        %dma_start3A_106 = arith.constant 0 : i32
        %dma_start3A_107 = arith.constant 0 : i32
        %dma_start3A_108 = tpu.memref_slice %arg3[%add3A_45, %dma_start3A_106, %dma_start3A_107] : memref<2560x2x128xi32, #tpu.memory_space<hbm>> -> memref<1x2x128xi32, #tpu.memory_space<hbm>>
        %dma_start3A_109 = tpu.memref_squeeze %dma_start3A_108 : memref<1x2x128xi32, #tpu.memory_space<hbm>> -> memref<2x128xi32, #tpu.memory_space<hbm>>
        %dma_start3A_110 = arith.constant 0 : i32
        %dma_start3A_111 = arith.constant 0 : i32
        %dma_start3A_112 = tpu.memref_slice %arg3[%add3A_45, %dma_start3A_110, %dma_start3A_111] : memref<2560x2x128xi32, #tpu.memory_space<hbm>> -> memref<1x2x128xi32, #tpu.memory_space<hbm>>
        %dma_start3A_113 = tpu.memref_squeeze %dma_start3A_112 : memref<1x2x128xi32, #tpu.memory_space<hbm>> -> memref<2x128xi32, #tpu.memory_space<hbm>>
        tpu.enqueue_dma source(%dma_start3A_113 : memref<2x128xi32, #tpu.memory_space<hbm>>) target(%arg6 : memref<2x128xi32, #tpu.memory_space<vmem>>) target_semaphore(%run_scoped3A_105 : memref<!tpu.dma_semaphore, #tpu.memory_space<semaphore_mem>>)
        %dma_wait3A_114 = arith.constant 0 : i32
        %dma_wait3A_115 = arith.constant 0 : i32
        %dma_wait3A_116 = tpu.memref_slice %arg3[%add3A_45, %dma_wait3A_114, %dma_wait3A_115] : memref<2560x2x128xi32, #tpu.memory_space<hbm>> -> memref<1x2x128xi32, #tpu.memory_space<hbm>>
        %dma_wait3A_117 = tpu.memref_squeeze %dma_wait3A_116 : memref<1x2x128xi32, #tpu.memory_space<hbm>> -> memref<2x128xi32, #tpu.memory_space<hbm>>
        %dma_wait3A_118 = arith.constant 0 : i32
        %dma_wait3A_119 = arith.constant 0 : i32
        %dma_wait3A_120 = tpu.memref_slice %arg3[%add3A_45, %dma_wait3A_118, %dma_wait3A_119] : memref<2560x2x128xi32, #tpu.memory_space<hbm>> -> memref<1x2x128xi32, #tpu.memory_space<hbm>>
        %dma_wait3A_121 = tpu.memref_squeeze %dma_wait3A_120 : memref<1x2x128xi32, #tpu.memory_space<hbm>> -> memref<2x128xi32, #tpu.memory_space<hbm>>
        tpu.wait_dma2 semaphore(%run_scoped3A_105 : memref<!tpu.dma_semaphore, #tpu.memory_space<semaphore_mem>>) src(%dma_wait3A_121 : memref<2x128xi32, #tpu.memory_space<hbm>>) dst(%arg6 : memref<2x128xi32, #tpu.memory_space<vmem>>)
        tpu.yield
      }) : () -> ()
      %dma_start3A_74 = arith.constant 0 : i32
      %dma_start3A_75 = arith.constant 0 : i32
      %dma_start3A_76 = tpu.memref_slice %arg6[%dma_start3A_74, %dma_start3A_75] : memref<2x128xi32, #tpu.memory_space<vmem>> -> memref<1x128xi32, #tpu.memory_space<vmem>>
      %dma_start3A_77 = tpu.memref_squeeze %dma_start3A_76 : memref<1x128xi32, #tpu.memory_space<vmem>> -> memref<128xi32, #tpu.memory_space<vmem>>
      %dma_start3A_78 = arith.constant 0 : i32
      %dma_start3A_79 = arith.constant 0 : i32
      %dma_start3A_80 = tpu.memref_slice %arg2[%dma_start3A_78, %dma_start3A_79] : memref<10000x128xf32, #tpu.memory_space<hbm>> -> memref<10000x128xf32, #tpu.memory_space<hbm>>
      tpu.enqueue_indirect_dma source(%dma_start3A_80 : memref<10000x128xf32, #tpu.memory_space<hbm>>) target(%arg8 : memref<128x128xf32, #tpu.memory_space<vmem>>) offsets(%dma_start3A_77 : memref<128xi32, #tpu.memory_space<vmem>>) semaphore(%arg11 : memref<!tpu.dma_semaphore, #tpu.memory_space<semaphore_mem>>)
      %run_scoped3A_81 = arith.constant 1 : i32
      "tpu.region"() ({
        %run_scoped3A_105 = tpu.sem_alloc : memref<!tpu.dma_semaphore, #tpu.memory_space<semaphore_mem>>
        %dma_start3A_106 = arith.constant 0 : i32
        %dma_start3A_107 = tpu.memref_slice %arg7[%run_scoped3A_81, %dma_start3A_106] : memref<2x128xi32, #tpu.memory_space<vmem>> -> memref<1x128xi32, #tpu.memory_space<vmem>>
        %dma_start3A_108 = tpu.memref_squeeze %dma_start3A_107 : memref<1x128xi32, #tpu.memory_space<vmem>> -> memref<128xi32, #tpu.memory_space<vmem>>
        %dma_start3A_109 = arith.constant 0 : i32
        %dma_start3A_110 = arith.constant 0 : i32
        %dma_start3A_111 = tpu.memref_slice %arg5[%dma_start3A_109, %dma_start3A_110] : memref<10240x128xf32, #tpu.memory_space<vmem_shared>> -> memref<10240x128xf32, #tpu.memory_space<vmem_shared>>
        tpu.enqueue_indirect_dma source(%arg9 : memref<128x128xf32, #tpu.memory_space<vmem>>) target(%dma_start3A_111 : memref<10240x128xf32, #tpu.memory_space<vmem_shared>>) offsets(%dma_start3A_108 : memref<128xi32, #tpu.memory_space<vmem>>) semaphore(%run_scoped3A_105 : memref<!tpu.dma_semaphore, #tpu.memory_space<semaphore_mem>>) {add = true}
        %dma_wait3A_112 = arith.constant 0 : i32
        %dma_wait3A_113 = tpu.memref_slice %arg7[%run_scoped3A_81, %dma_wait3A_112] : memref<2x128xi32, #tpu.memory_space<vmem>> -> memref<1x128xi32, #tpu.memory_space<vmem>>
        %dma_wait3A_114 = tpu.memref_squeeze %dma_wait3A_113 : memref<1x128xi32, #tpu.memory_space<vmem>> -> memref<128xi32, #tpu.memory_space<vmem>>
        %dma_wait3A_115 = arith.constant 0 : i32
        %dma_wait3A_116 = arith.constant 0 : i32
        %dma_wait3A_117 = tpu.memref_slice %arg5[%dma_wait3A_115, %dma_wait3A_116] : memref<10240x128xf32, #tpu.memory_space<vmem_shared>> -> memref<10240x128xf32, #tpu.memory_space<vmem_shared>>
        tpu.wait_indirect_dma semaphore(%run_scoped3A_105 : memref<!tpu.dma_semaphore, #tpu.memory_space<semaphore_mem>>) src(%arg9 : memref<128x128xf32, #tpu.memory_space<vmem>>) dst(%dma_wait3A_117 : memref<10240x128xf32, #tpu.memory_space<vmem_shared>>)
        tpu.yield
      }) : () -> ()
      %dma_wait3A_82 = arith.constant 0 : i32
      %dma_wait3A_83 = arith.constant 0 : i32
      %dma_wait3A_84 = tpu.memref_slice %arg6[%dma_wait3A_82, %dma_wait3A_83] : memref<2x128xi32, #tpu.memory_space<vmem>> -> memref<1x128xi32, #tpu.memory_space<vmem>>
      %dma_wait3A_85 = tpu.memref_squeeze %dma_wait3A_84 : memref<1x128xi32, #tpu.memory_space<vmem>> -> memref<128xi32, #tpu.memory_space<vmem>>
      %dma_wait3A_86 = arith.constant 0 : i32
      %dma_wait3A_87 = arith.constant 0 : i32
      %dma_wait3A_88 = tpu.memref_slice %arg2[%dma_wait3A_86, %dma_wait3A_87] : memref<10000x128xf32, #tpu.memory_space<hbm>> -> memref<10000x128xf32, #tpu.memory_space<hbm>>
      tpu.wait_indirect_dma semaphore(%arg11 : memref<!tpu.dma_semaphore, #tpu.memory_space<semaphore_mem>>) src(%dma_wait3A_88 : memref<10000x128xf32, #tpu.memory_space<hbm>>) dst(%arg8 : memref<128x128xf32, #tpu.memory_space<vmem>>)
      "tpu.region"() ({
        %run_scoped3A_105 = tpu.sem_alloc : memref<!tpu.dma_semaphore, #tpu.memory_space<semaphore_mem>>
        %dma_start3A_106 = arith.constant 0 : i32
        %dma_start3A_107 = arith.constant 0 : i32
        %dma_start3A_108 = tpu.memref_slice %arg3[%add3A_47, %dma_start3A_106, %dma_start3A_107] : memref<2560x2x128xi32, #tpu.memory_space<hbm>> -> memref<1x2x128xi32, #tpu.memory_space<hbm>>
        %dma_start3A_109 = tpu.memref_squeeze %dma_start3A_108 : memref<1x2x128xi32, #tpu.memory_space<hbm>> -> memref<2x128xi32, #tpu.memory_space<hbm>>
        %dma_start3A_110 = arith.constant 0 : i32
        %dma_start3A_111 = arith.constant 0 : i32
        %dma_start3A_112 = tpu.memref_slice %arg3[%add3A_47, %dma_start3A_110, %dma_start3A_111] : memref<2560x2x128xi32, #tpu.memory_space<hbm>> -> memref<1x2x128xi32, #tpu.memory_space<hbm>>
        %dma_start3A_113 = tpu.memref_squeeze %dma_start3A_112 : memref<1x2x128xi32, #tpu.memory_space<hbm>> -> memref<2x128xi32, #tpu.memory_space<hbm>>
        tpu.enqueue_dma source(%dma_start3A_113 : memref<2x128xi32, #tpu.memory_space<hbm>>) target(%arg7 : memref<2x128xi32, #tpu.memory_space<vmem>>) target_semaphore(%run_scoped3A_105 : memref<!tpu.dma_semaphore, #tpu.memory_space<semaphore_mem>>)
        %dma_wait3A_114 = arith.constant 0 : i32
        %dma_wait3A_115 = arith.constant 0 : i32
        %dma_wait3A_116 = tpu.memref_slice %arg3[%add3A_47, %dma_wait3A_114, %dma_wait3A_115] : memref<2560x2x128xi32, #tpu.memory_space<hbm>> -> memref<1x2x128xi32, #tpu.memory_space<hbm>>
        %dma_wait3A_117 = tpu.memref_squeeze %dma_wait3A_116 : memref<1x2x128xi32, #tpu.memory_space<hbm>> -> memref<2x128xi32, #tpu.memory_space<hbm>>
        %dma_wait3A_118 = arith.constant 0 : i32
        %dma_wait3A_119 = arith.constant 0 : i32
        %dma_wait3A_120 = tpu.memref_slice %arg3[%add3A_47, %dma_wait3A_118, %dma_wait3A_119] : memref<2560x2x128xi32, #tpu.memory_space<hbm>> -> memref<1x2x128xi32, #tpu.memory_space<hbm>>
        %dma_wait3A_121 = tpu.memref_squeeze %dma_wait3A_120 : memref<1x2x128xi32, #tpu.memory_space<hbm>> -> memref<2x128xi32, #tpu.memory_space<hbm>>
        tpu.wait_dma2 semaphore(%run_scoped3A_105 : memref<!tpu.dma_semaphore, #tpu.memory_space<semaphore_mem>>) src(%dma_wait3A_121 : memref<2x128xi32, #tpu.memory_space<hbm>>) dst(%arg7 : memref<2x128xi32, #tpu.memory_space<vmem>>)
        tpu.yield
      }) : () -> ()
      %dma_start3A_89 = arith.constant 0 : i32
      %dma_start3A_90 = arith.constant 0 : i32
      %dma_start3A_91 = tpu.memref_slice %arg7[%dma_start3A_89, %dma_start3A_90] : memref<2x128xi32, #tpu.memory_space<vmem>> -> memref<1x128xi32, #tpu.memory_space<vmem>>
      %dma_start3A_92 = tpu.memref_squeeze %dma_start3A_91 : memref<1x128xi32, #tpu.memory_space<vmem>> -> memref<128xi32, #tpu.memory_space<vmem>>
      %dma_start3A_93 = arith.constant 0 : i32
      %dma_start3A_94 = arith.constant 0 : i32
      %dma_start3A_95 = tpu.memref_slice %arg2[%dma_start3A_93, %dma_start3A_94] : memref<10000x128xf32, #tpu.memory_space<hbm>> -> memref<10000x128xf32, #tpu.memory_space<hbm>>
      tpu.enqueue_indirect_dma source(%dma_start3A_95 : memref<10000x128xf32, #tpu.memory_space<hbm>>) target(%arg9 : memref<128x128xf32, #tpu.memory_space<vmem>>) offsets(%dma_start3A_92 : memref<128xi32, #tpu.memory_space<vmem>>) semaphore(%arg12 : memref<!tpu.dma_semaphore, #tpu.memory_space<semaphore_mem>>)
      %run_scoped3A_96 = arith.constant 1 : i32
      "tpu.region"() ({
        %run_scoped3A_105 = tpu.sem_alloc : memref<!tpu.dma_semaphore, #tpu.memory_space<semaphore_mem>>
        %dma_start3A_106 = arith.constant 0 : i32
        %dma_start3A_107 = tpu.memref_slice %arg6[%run_scoped3A_96, %dma_start3A_106] : memref<2x128xi32, #tpu.memory_space<vmem>> -> memref<1x128xi32, #tpu.memory_space<vmem>>
        %dma_start3A_108 = tpu.memref_squeeze %dma_start3A_107 : memref<1x128xi32, #tpu.memory_space<vmem>> -> memref<128xi32, #tpu.memory_space<vmem>>
        %dma_start3A_109 = arith.constant 0 : i32
        %dma_start3A_110 = arith.constant 0 : i32
        %dma_start3A_111 = tpu.memref_slice %arg5[%dma_start3A_109, %dma_start3A_110] : memref<10240x128xf32, #tpu.memory_space<vmem_shared>> -> memref<10240x128xf32, #tpu.memory_space<vmem_shared>>
        tpu.enqueue_indirect_dma source(%arg8 : memref<128x128xf32, #tpu.memory_space<vmem>>) target(%dma_start3A_111 : memref<10240x128xf32, #tpu.memory_space<vmem_shared>>) offsets(%dma_start3A_108 : memref<128xi32, #tpu.memory_space<vmem>>) semaphore(%run_scoped3A_105 : memref<!tpu.dma_semaphore, #tpu.memory_space<semaphore_mem>>) {add = true}
        %dma_wait3A_112 = arith.constant 0 : i32
        %dma_wait3A_113 = tpu.memref_slice %arg6[%run_scoped3A_96, %dma_wait3A_112] : memref<2x128xi32, #tpu.memory_space<vmem>> -> memref<1x128xi32, #tpu.memory_space<vmem>>
        %dma_wait3A_114 = tpu.memref_squeeze %dma_wait3A_113 : memref<1x128xi32, #tpu.memory_space<vmem>> -> memref<128xi32, #tpu.memory_space<vmem>>
        %dma_wait3A_115 = arith.constant 0 : i32
        %dma_wait3A_116 = arith.constant 0 : i32
        %dma_wait3A_117 = tpu.memref_slice %arg5[%dma_wait3A_115, %dma_wait3A_116] : memref<10240x128xf32, #tpu.memory_space<vmem_shared>> -> memref<10240x128xf32, #tpu.memory_space<vmem_shared>>
        tpu.wait_indirect_dma semaphore(%run_scoped3A_105 : memref<!tpu.dma_semaphore, #tpu.memory_space<semaphore_mem>>) src(%arg8 : memref<128x128xf32, #tpu.memory_space<vmem>>) dst(%dma_wait3A_117 : memref<10240x128xf32, #tpu.memory_space<vmem_shared>>)
        tpu.yield
      }) : () -> ()
      %dma_wait3A_97 = arith.constant 0 : i32
      %dma_wait3A_98 = arith.constant 0 : i32
      %dma_wait3A_99 = tpu.memref_slice %arg7[%dma_wait3A_97, %dma_wait3A_98] : memref<2x128xi32, #tpu.memory_space<vmem>> -> memref<1x128xi32, #tpu.memory_space<vmem>>
      %dma_wait3A_100 = tpu.memref_squeeze %dma_wait3A_99 : memref<1x128xi32, #tpu.memory_space<vmem>> -> memref<128xi32, #tpu.memory_space<vmem>>
      %dma_wait3A_101 = arith.constant 0 : i32
      %dma_wait3A_102 = arith.constant 0 : i32
      %dma_wait3A_103 = tpu.memref_slice %arg2[%dma_wait3A_101, %dma_wait3A_102] : memref<10000x128xf32, #tpu.memory_space<hbm>> -> memref<10000x128xf32, #tpu.memory_space<hbm>>
      tpu.wait_indirect_dma semaphore(%arg12 : memref<!tpu.dma_semaphore, #tpu.memory_space<semaphore_mem>>) src(%dma_wait3A_103 : memref<10000x128xf32, #tpu.memory_space<hbm>>) dst(%arg9 : memref<128x128xf32, #tpu.memory_space<vmem>>)
      %run_scoped3A_104 = arith.constant 1 : i32
      "tpu.region"() ({
        %run_scoped3A_105 = tpu.sem_alloc : memref<!tpu.dma_semaphore, #tpu.memory_space<semaphore_mem>>
        %dma_start3A_106 = arith.constant 0 : i32
        %dma_start3A_107 = tpu.memref_slice %arg7[%run_scoped3A_104, %dma_start3A_106] : memref<2x128xi32, #tpu.memory_space<vmem>> -> memref<1x128xi32, #tpu.memory_space<vmem>>
        %dma_start3A_108 = tpu.memref_squeeze %dma_start3A_107 : memref<1x128xi32, #tpu.memory_space<vmem>> -> memref<128xi32, #tpu.memory_space<vmem>>
        %dma_start3A_109 = arith.constant 0 : i32
        %dma_start3A_110 = arith.constant 0 : i32
        %dma_start3A_111 = tpu.memref_slice %arg5[%dma_start3A_109, %dma_start3A_110] : memref<10240x128xf32, #tpu.memory_space<vmem_shared>> -> memref<10240x128xf32, #tpu.memory_space<vmem_shared>>
        tpu.enqueue_indirect_dma source(%arg9 : memref<128x128xf32, #tpu.memory_space<vmem>>) target(%dma_start3A_111 : memref<10240x128xf32, #tpu.memory_space<vmem_shared>>) offsets(%dma_start3A_108 : memref<128xi32, #tpu.memory_space<vmem>>) semaphore(%run_scoped3A_105 : memref<!tpu.dma_semaphore, #tpu.memory_space<semaphore_mem>>) {add = true}
        %dma_wait3A_112 = arith.constant 0 : i32
        %dma_wait3A_113 = tpu.memref_slice %arg7[%run_scoped3A_104, %dma_wait3A_112] : memref<2x128xi32, #tpu.memory_space<vmem>> -> memref<1x128xi32, #tpu.memory_space<vmem>>
        %dma_wait3A_114 = tpu.memref_squeeze %dma_wait3A_113 : memref<1x128xi32, #tpu.memory_space<vmem>> -> memref<128xi32, #tpu.memory_space<vmem>>
        %dma_wait3A_115 = arith.constant 0 : i32
        %dma_wait3A_116 = arith.constant 0 : i32
        %dma_wait3A_117 = tpu.memref_slice %arg5[%dma_wait3A_115, %dma_wait3A_116] : memref<10240x128xf32, #tpu.memory_space<vmem_shared>> -> memref<10240x128xf32, #tpu.memory_space<vmem_shared>>
        tpu.wait_indirect_dma semaphore(%run_scoped3A_105 : memref<!tpu.dma_semaphore, #tpu.memory_space<semaphore_mem>>) src(%arg9 : memref<128x128xf32, #tpu.memory_space<vmem>>) dst(%dma_wait3A_117 : memref<10240x128xf32, #tpu.memory_space<vmem_shared>>)
        tpu.yield
      }) : () -> ()
    }
    %scan3A_34 = arith.constant 20 : i32
    %barrier3A_35 = arith.constant 0 : index
    tpu.barrier barrier_id(%barrier3A_35)
    "tpu.region"() ({
      %run_scoped3A = tpu.sem_alloc : memref<!tpu.dma_semaphore, #tpu.memory_space<semaphore_mem>>
      %dma_start3A = arith.constant 0 : i32
      %dma_start3A_36 = tpu.memref_slice %arg4[%arg0, %mul3A_8, %dma_start3A] : memref<2x10240x128xf32, #tpu.memory_space<hbm>> -> memref<1x640x128xf32, #tpu.memory_space<hbm>>
      %dma_start3A_37 = tpu.memref_squeeze %dma_start3A_36 : memref<1x640x128xf32, #tpu.memory_space<hbm>> -> memref<640x128xf32, #tpu.memory_space<hbm>>
      %dma_start3A_38 = arith.constant 0 : i32
      %dma_start3A_39 = tpu.memref_slice %arg5[%mul3A_8, %dma_start3A_38] : memref<10240x128xf32, #tpu.memory_space<vmem_shared>> -> memref<640x128xf32, #tpu.memory_space<vmem_shared>>
      tpu.enqueue_dma source(%dma_start3A_39 : memref<640x128xf32, #tpu.memory_space<vmem_shared>>) target(%dma_start3A_37 : memref<640x128xf32, #tpu.memory_space<hbm>>) target_semaphore(%run_scoped3A : memref<!tpu.dma_semaphore, #tpu.memory_space<semaphore_mem>>)
      %dma_wait3A = arith.constant 0 : i32
      %dma_wait3A_40 = tpu.memref_slice %arg4[%arg0, %mul3A_8, %dma_wait3A] : memref<2x10240x128xf32, #tpu.memory_space<hbm>> -> memref<1x640x128xf32, #tpu.memory_space<hbm>>
      %dma_wait3A_41 = tpu.memref_squeeze %dma_wait3A_40 : memref<1x640x128xf32, #tpu.memory_space<hbm>> -> memref<640x128xf32, #tpu.memory_space<hbm>>
      %dma_wait3A_42 = arith.constant 0 : i32
      %dma_wait3A_43 = tpu.memref_slice %arg5[%mul3A_8, %dma_wait3A_42] : memref<10240x128xf32, #tpu.memory_space<vmem_shared>> -> memref<640x128xf32, #tpu.memory_space<vmem_shared>>
      tpu.wait_dma2 semaphore(%run_scoped3A : memref<!tpu.dma_semaphore, #tpu.memory_space<semaphore_mem>>) src(%dma_wait3A_43 : memref<640x128xf32, #tpu.memory_space<vmem_shared>>) dst(%dma_wait3A_41 : memref<640x128xf32, #tpu.memory_space<hbm>>)
      tpu.yield
    }) : () -> ()
    return
  }
}

module attributes {stable_mosaic.version = 14 : i64} {
  func.func @_tc_hist_body(%arg0: i32, %arg1: memref<64x128xi32, #tpu.memory_space<vmem>>, %arg2: memref<64x128xi32, #tpu.memory_space<vmem>>, %arg3: memref<80x128xf32, #tpu.memory_space<vmem>>, %arg4: memref<8x128xf32, #tpu.memory_space<vmem>>) attributes {dimension_semantics = [#tpu.dimension_semantics<arbitrary>], iteration_bounds = array<i64: 40>, scalar_prefetch = 0 : i64, scratch_operands = 0 : i64, tpu.core_type = #tpu.core_type<tc>, window_params = [{transform_indices = @transform_0, window_bounds = array<i64: 64, 128>}, {transform_indices = @transform_1, window_bounds = array<i64: 64, 128>}, {pipeline_mode = #tpu.pipeline_mode<synchronous>, transform_indices = @transform_2, window_bounds = array<i64: 80, 128>}, {pipeline_mode = #tpu.pipeline_mode<synchronous>, transform_indices = @transform_3, window_bounds = array<i64: 8, 128>}]} {
    %get3A = arith.constant 0 : index
    %get3A_0 = arith.constant 0 : index
    %get3A_1 = vector.load %arg1[%get3A, %get3A_0] : memref<64x128xi32, #tpu.memory_space<vmem>>, vector<64x128xi32>
    %get3A_2 = arith.constant 0 : index
    %get3A_3 = arith.constant 0 : index
    %get3A_4 = vector.load %arg2[%get3A_2, %get3A_3] : memref<64x128xi32, #tpu.memory_space<vmem>>, vector<64x128xi32>
    %shift_right_arithmetic3A = arith.constant 7 : i32
    %shift_right_arithmetic3A_5 = vector.broadcast %shift_right_arithmetic3A : i32 to vector<64x128xi32>
    %shift_right_arithmetic3A_6 = arith.shrsi %get3A_4, %shift_right_arithmetic3A_5 : vector<64x128xi32>
    %and3A = arith.constant 127 : i32
    %and3A_7 = vector.broadcast %and3A : i32 to vector<64x128xi32>
    %and3A_8 = arith.andi %get3A_4, %and3A_7 : vector<64x128xi32>
    %iota3A = tpu.iota {dimensions = array<i32: 2>} : vector<64x128x80xi32>
    %broadcast_in_dim3A = vector.shape_cast %shift_right_arithmetic3A_6 : vector<64x128xi32> to vector<64x128x1xi32>
    %eq3A = vector.broadcast %broadcast_in_dim3A : vector<64x128x1xi32> to vector<64x128x80xi32>
    %eq3A_9 = arith.cmpi eq, %iota3A, %eq3A : vector<64x128x80xi32>
    %convert_element_type3A = arith.extui %eq3A_9 : vector<64x128x80xi1> to vector<64x128x80xi32>
    %convert_element_type3A_10 = arith.sitofp %convert_element_type3A : vector<64x128x80xi32> to vector<64x128x80xf32>
    %iota3A_11 = tpu.iota {dimensions = array<i32: 2>} : vector<64x128x128xi32>
    %broadcast_in_dim3A_12 = vector.shape_cast %and3A_8 : vector<64x128xi32> to vector<64x128x1xi32>
    %eq3A_13 = vector.broadcast %broadcast_in_dim3A_12 : vector<64x128x1xi32> to vector<64x128x128xi32>
    %eq3A_14 = arith.cmpi eq, %iota3A_11, %eq3A_13 : vector<64x128x128xi32>
    %convert_element_type3A_15 = arith.extui %eq3A_14 : vector<64x128x128xi1> to vector<64x128x128xi32>
    %convert_element_type3A_16 = arith.sitofp %convert_element_type3A_15 : vector<64x128x128xi32> to vector<64x128x128xf32>
    %dot_general3A = arith.constant dense<0.000000e+00> : vector<64x80x128xf32>
    %dot_general3A_17 = tpu.matmul %convert_element_type3A_10, %convert_element_type3A_16, %dot_general3A {dimension_numbers = #tpu.dot_dimension_numbers<[1], [1], [2], [2], [0, 0, 0, 2, 1, 2], [0], [0]>, transpose_lhs_hint = false} : vector<64x128x80xf32>, vector<64x128x128xf32>, vector<64x80x128xf32> -> vector<64x80x128xf32>
    %reduce_sum3A = arith.constant dense<0.000000e+00> : vector<80x128xf32>
    %reduce_sum3A_18 = vector.multi_reduction <add>, %dot_general3A_17, %reduce_sum3A [0] : vector<64x80x128xf32> to vector<80x128xf32>
    %eq3A_19 = arith.cmpi eq, %get3A_1, %get3A_4 : vector<64x128xi32>
    %convert_element_type3A_20 = arith.extui %eq3A_19 : vector<64x128xi1> to vector<64x128xi32>
    %convert_element_type3A_21 = arith.sitofp %convert_element_type3A_20 : vector<64x128xi32> to vector<64x128xf32>
    %reduce_sum3A_22 = vector.shape_cast %convert_element_type3A_21 : vector<64x128xf32> to vector<1x64x128xf32>
    %reduce_sum3A_23 = arith.constant dense<0.000000e+00> : vector<1xf32>
    %reduce_sum3A_24 = vector.multi_reduction <add>, %reduce_sum3A_22, %reduce_sum3A_23 [1, 2] : vector<1x64x128xf32> to vector<1xf32>
    %reduce_sum3A_25 = vector.shape_cast %reduce_sum3A_24 : vector<1xf32> to vector<1x1x1xf32>
    %reduce_sum3A_26 = vector.extract %reduce_sum3A_25[0, 0, 0] : f32 from vector<1x1x1xf32>
    %eq3A_27 = arith.constant 0 : i32
    %eq3A_28 = arith.cmpi eq, %arg0, %eq3A_27 : i32
    %convert_element_type3A_29 = arith.extui %eq3A_28 : i1 to i32
    %cond3A = arith.constant 0 : i32
    %cond3A_30 = arith.cmpi ne, %convert_element_type3A_29, %cond3A : i32
    scf.if %cond3A_30 {
      %swap3A = arith.constant 0 : index
      %swap3A_35 = arith.constant 0 : index
      %swap3A_36 = vector.load %arg3[%swap3A, %swap3A_35] : memref<80x128xf32, #tpu.memory_space<vmem>>, vector<80x128xf32>
      tpu.vector_store %arg3[%swap3A, %swap3A_35], %reduce_sum3A_18 {strides = array<i32>} : memref<80x128xf32, #tpu.memory_space<vmem>>, vector<80x128xf32>,
      %broadcast_in_dim3A_37 = vector.broadcast %reduce_sum3A_26 : f32 to vector<8x128xf32>
      %swap3A_38 = arith.constant 0 : index
      %swap3A_39 = arith.constant 0 : index
      %swap3A_40 = vector.load %arg4[%swap3A_38, %swap3A_39] : memref<8x128xf32, #tpu.memory_space<vmem>>, vector<8x128xf32>
      tpu.vector_store %arg4[%swap3A_38, %swap3A_39], %broadcast_in_dim3A_37 {strides = array<i32>} : memref<8x128xf32, #tpu.memory_space<vmem>>, vector<8x128xf32>,
    } else {
    }
    %gt3A = arith.constant 0 : i32
    %gt3A_31 = arith.cmpi sgt, %arg0, %gt3A : i32
    %convert_element_type3A_32 = arith.extui %gt3A_31 : i1 to i32
    %cond3A_33 = arith.constant 0 : i32
    %cond3A_34 = arith.cmpi ne, %convert_element_type3A_32, %cond3A_33 : i32
    scf.if %cond3A_34 {
      %get3A_35 = arith.constant 0 : index
      %get3A_36 = arith.constant 0 : index
      %get3A_37 = vector.load %arg3[%get3A_35, %get3A_36] : memref<80x128xf32, #tpu.memory_space<vmem>>, vector<80x128xf32>
      %add3A = arith.addf %get3A_37, %reduce_sum3A_18 : vector<80x128xf32>
      %swap3A = arith.constant 0 : index
      %swap3A_38 = arith.constant 0 : index
      %swap3A_39 = vector.load %arg3[%swap3A, %swap3A_38] : memref<80x128xf32, #tpu.memory_space<vmem>>, vector<80x128xf32>
      tpu.vector_store %arg3[%swap3A, %swap3A_38], %add3A {strides = array<i32>} : memref<80x128xf32, #tpu.memory_space<vmem>>, vector<80x128xf32>,
      %get3A_40 = arith.constant 0 : index
      %get3A_41 = arith.constant 0 : index
      %get3A_42 = vector.load %arg4[%get3A_40, %get3A_41] : memref<8x128xf32, #tpu.memory_space<vmem>>, vector<8x128xf32>
      %add3A_43 = vector.broadcast %reduce_sum3A_26 : f32 to vector<8x128xf32>
      %add3A_44 = arith.addf %get3A_42, %add3A_43 : vector<8x128xf32>
      %swap3A_45 = arith.constant 0 : index
      %swap3A_46 = arith.constant 0 : index
      %swap3A_47 = vector.load %arg4[%swap3A_45, %swap3A_46] : memref<8x128xf32, #tpu.memory_space<vmem>>, vector<8x128xf32>
      tpu.vector_store %arg4[%swap3A_45, %swap3A_46], %add3A_44 {strides = array<i32>} : memref<8x128xf32, #tpu.memory_space<vmem>>, vector<8x128xf32>,
    } else {
    }
    return
  }
  func.func @transform_0(%arg0: i32) -> (i32, i32) {
    %c0_i32 = arith.constant 0 : i32
    %c0_i32_0 = arith.constant 0 : i32
    return %arg0, %c0_i32 : i32, i32
  }
  func.func @transform_1(%arg0: i32) -> (i32, i32) {
    %c0_i32 = arith.constant 0 : i32
    %c0_i32_0 = arith.constant 0 : i32
    return %arg0, %c0_i32 : i32, i32
  }
  func.func @transform_2(%arg0: i32) -> (i32, i32) {
    %c0_i32 = arith.constant 0 : i32
    %c0_i32_0 = arith.constant 0 : i32
    %c0_i32_1 = arith.constant 0 : i32
    return %c0_i32, %c0_i32_0 : i32, i32
  }
  func.func @transform_3(%arg0: i32) -> (i32, i32) {
    %c0_i32 = arith.constant 0 : i32
    %c0_i32_0 = arith.constant 0 : i32
    %c0_i32_1 = arith.constant 0 : i32
    return %c0_i32, %c0_i32_0 : i32, i32
  }
}

module attributes {stable_mosaic.version = 14 : i64} {
  func.func @_tc_dense_body(%arg0: i32, %arg1: memref<2x512x128xf32, #tpu.memory_space<vmem>>, %arg2: memref<512x1xf32, #tpu.memory_space<vmem>>, %arg3: memref<8x128xf32, #tpu.memory_space<vmem>>, %arg4: memref<512x128xf32, #tpu.memory_space<vmem>>, %arg5: memref<16x128xf32, #tpu.memory_space<vmem>>, %arg6: memref<640x128xf32, #tpu.memory_space<vmem>>, %arg7: memref<512x40xf32, #tpu.memory_space<vmem>>) attributes {dimension_semantics = [#tpu.dimension_semantics<arbitrary>], iteration_bounds = array<i64: 20>, scalar_prefetch = 0 : i64, scratch_operands = 0 : i64, tpu.core_type = #tpu.core_type<tc>, window_params = [{transform_indices = @transform_0, window_bounds = array<i64: 2, 512, 128>}, {transform_indices = @transform_1, window_bounds = array<i64: 512, 1>}, {pipeline_mode = #tpu.pipeline_mode<synchronous>, transform_indices = @transform_2, window_bounds = array<i64: 8, 128>}, {transform_indices = @transform_3, window_bounds = array<i64: 512, 128>}, {pipeline_mode = #tpu.pipeline_mode<synchronous>, transform_indices = @transform_4, window_bounds = array<i64: 16, 128>}, {pipeline_mode = #tpu.pipeline_mode<synchronous>, transform_indices = @transform_5, window_bounds = array<i64: 640, 128>}, {transform_indices = @transform_6, window_bounds = array<i64: 512, 40>}]} {
    %get3A = arith.constant 0 : index
    %get3A_0 = arith.constant 0 : index
    %get3A_1 = arith.constant 0 : index
    %get3A_2 = vector.load %arg1[%get3A, %get3A_0, %get3A_1] : memref<2x512x128xf32, #tpu.memory_space<vmem>>, vector<1x512x128xf32>
    %get3A_3 = vector.shape_cast %get3A_2 : vector<1x512x128xf32> to vector<512x128xf32>
    %get3A_4 = arith.constant 1 : index
    %get3A_5 = arith.constant 0 : index
    %get3A_6 = arith.constant 0 : index
    %get3A_7 = vector.load %arg1[%get3A_4, %get3A_5, %get3A_6] : memref<2x512x128xf32, #tpu.memory_space<vmem>>, vector<1x512x128xf32>
    %get3A_8 = vector.shape_cast %get3A_7 : vector<1x512x128xf32> to vector<512x128xf32>
    %add3A = arith.addf %get3A_3, %get3A_8 : vector<512x128xf32>
    %get3A_9 = arith.constant 0 : index
    %get3A_10 = arith.constant 0 : index
    %get3A_11 = vector.load %arg2[%get3A_9, %get3A_10] : memref<512x1xf32, #tpu.memory_space<vmem>>, vector<512x1xf32>
    %get3A_12 = arith.constant 0 : index
    %get3A_13 = arith.constant 0 : index
    %get3A_14 = vector.load %arg3[%get3A_12, %get3A_13] : memref<8x128xf32, #tpu.memory_space<vmem>>, vector<8x128xf32>
    %reduce_sum3A = vector.shape_cast %get3A_14 : vector<8x128xf32> to vector<1x8x128xf32>
    %reduce_sum3A_15 = arith.constant dense<0.000000e+00> : vector<1xf32>
    %reduce_sum3A_16 = vector.multi_reduction <add>, %reduce_sum3A, %reduce_sum3A_15 [1, 2] : vector<1x8x128xf32> to vector<1xf32>
    %reduce_sum3A_17 = vector.shape_cast %reduce_sum3A_16 : vector<1xf32> to vector<1x1x1xf32>
    %reduce_sum3A_18 = vector.extract %reduce_sum3A_17[0, 0, 0] : f32 from vector<1x1x1xf32>
    %gt3A = arith.constant 0.000000e+00 : f32
    %gt3A_19 = arith.cmpf ogt, %reduce_sum3A_18, %gt3A : f32
    %jit3A = arith.constant 0.000000e+00 : f32
    %jit3A_20 = arith.constant 1.000000e+00 : f32
    %select_n3A = arith.select %gt3A_19, %jit3A, %jit3A_20 : f32
    %get3A_21 = arith.constant 0 : index
    %get3A_22 = arith.constant 0 : index
    %get3A_23 = vector.load %arg4[%get3A_21, %get3A_22] : memref<512x128xf32, #tpu.memory_space<vmem>>, vector<512x128xf32>
    %mul3A = vector.broadcast %select_n3A : f32 to vector<512x128xf32>
    %mul3A_24 = arith.mulf %mul3A, %get3A_23 : vector<512x128xf32>
    %add3A_25 = arith.addf %add3A, %mul3A_24 : vector<512x128xf32>
    %add3A_26 = vector.broadcast %select_n3A : f32 to vector<512x1xf32>
    %add3A_27 = arith.addf %get3A_11, %add3A_26 : vector<512x1xf32>
    %max3A = arith.constant 1.000000e+00 : f32
    %max3A_28 = vector.broadcast %max3A : f32 to vector<512x1xf32>
    %max3A_29 = arith.maximumf %add3A_27, %max3A_28 : vector<512x1xf32>
    %div3A = vector.broadcast %max3A_29 : vector<512x1xf32> to vector<512x128xf32>
    %div3A_30 = arith.divf %add3A_25, %div3A : vector<512x128xf32>
    %get3A_31 = arith.constant 0 : index
    %get3A_32 = arith.constant 0 : index
    %get3A_33 = vector.load %arg5[%get3A_31, %get3A_32] : memref<16x128xf32, #tpu.memory_space<vmem>>, vector<16x128xf32>
    %dot_general3A = arith.constant dense<0.000000e+00> : vector<512x16xf32>
    %dot_general3A_34 = tpu.matmul %div3A_30, %get3A_33, %dot_general3A {dimension_numbers = #tpu.dot_dimension_numbers<[1], [1], [0], [0], [0, 0, 1, 0], [], []>, transpose_lhs_hint = false} : vector<512x128xf32>, vector<16x128xf32>, vector<512x16xf32> -> vector<512x16xf32>
    %reduce_max3A = arith.constant dense<0xFF800000> : vector<512xf32>
    %reduce_max3A_35 = vector.multi_reduction <maximumf>, %dot_general3A_34, %reduce_max3A [1] : vector<512x16xf32> to vector<512xf32>
    %broadcast_in_dim3A = vector.shape_cast %reduce_max3A_35 : vector<512xf32> to vector<512x1xf32>
    %iota3A = tpu.iota {dimensions = array<i32: 1>} : vector<512x16xi32>
    %eq3A = vector.broadcast %broadcast_in_dim3A : vector<512x1xf32> to vector<512x16xf32>
    %eq3A_36 = arith.cmpf oeq, %dot_general3A_34, %eq3A : vector<512x16xf32>
    %jit3A_37 = arith.constant 16 : i32
    %broadcast_in_dim3A_38 = vector.broadcast %jit3A_37 : i32 to vector<512x16xi32>
    %select_n3A_39 = arith.select %eq3A_36, %iota3A, %broadcast_in_dim3A_38 : vector<512x16xi1>, vector<512x16xi32>
    %reduce_min3A = arith.constant dense<2147483647> : vector<512xi32>
    %reduce_min3A_40 = vector.multi_reduction <minsi>, %select_n3A_39, %reduce_min3A [1] : vector<512x16xi32> to vector<512xi32>
    %broadcast_in_dim3A_41 = vector.shape_cast %reduce_min3A_40 : vector<512xi32> to vector<512x1xi32>
    %get3A_42 = arith.constant 0 : index
    %get3A_43 = arith.constant 0 : index
    %get3A_44 = vector.load %arg6[%get3A_42, %get3A_43] : memref<640x128xf32, #tpu.memory_space<vmem>>, vector<640x128xf32>
    %dot_general3A_45 = arith.constant dense<0.000000e+00> : vector<512x640xf32>
    %dot_general3A_46 = tpu.matmul %div3A_30, %get3A_44, %dot_general3A_45 {dimension_numbers = #tpu.dot_dimension_numbers<[1], [1], [0], [0], [0, 0, 1, 0], [], []>, transpose_lhs_hint = false} : vector<512x128xf32>, vector<640x128xf32>, vector<512x640xf32> -> vector<512x640xf32>
    %broadcast_in_dim3A_47 = arith.constant 0.000000e+00 : f32
    %broadcast_in_dim3A_48 = vector.broadcast %broadcast_in_dim3A_47 : f32 to vector<512x40xf32>
    %eq3A_49 = arith.constant 0 : i32
    %eq3A_50 = vector.broadcast %eq3A_49 : i32 to vector<512x1xi32>
    %eq3A_51 = arith.cmpi eq, %broadcast_in_dim3A_41, %eq3A_50 : vector<512x1xi32>
    %slice3A = vector.extract_strided_slice %dot_general3A_46 {offsets = [0, 0], sizes = [512, 40], strides = [1, 1]} : vector<512x640xf32> to vector<512x40xf32>
    %jit3A_52 = arith.constant 0.000000e+00 : f32
    %broadcast_in_dim3A_53 = vector.shape_cast %eq3A_51 : vector<512x1xi1> to vector<512x1xi1>
    %broadcast_in_dim3A_54 = vector.broadcast %broadcast_in_dim3A_53 : vector<512x1xi1> to vector<512x40xi1>
    %broadcast_in_dim3A_55 = vector.broadcast %jit3A_52 : f32 to vector<512x40xf32>
    %select_n3A_56 = arith.select %broadcast_in_dim3A_54, %slice3A, %broadcast_in_dim3A_55 : vector<512x40xi1>, vector<512x40xf32>
    %add3A_57 = arith.addf %broadcast_in_dim3A_48, %select_n3A_56 : vector<512x40xf32>
    %eq3A_58 = arith.constant 1 : i32
    %eq3A_59 = vector.broadcast %eq3A_58 : i32 to vector<512x1xi32>
    %eq3A_60 = arith.cmpi eq, %broadcast_in_dim3A_41, %eq3A_59 : vector<512x1xi32>
    %slice3A_61 = vector.extract_strided_slice %dot_general3A_46 {offsets = [0, 40], sizes = [512, 40], strides = [1, 1]} : vector<512x640xf32> to vector<512x40xf32>
    %jit3A_62 = arith.constant 0.000000e+00 : f32
    %broadcast_in_dim3A_63 = vector.shape_cast %eq3A_60 : vector<512x1xi1> to vector<512x1xi1>
    %broadcast_in_dim3A_64 = vector.broadcast %broadcast_in_dim3A_63 : vector<512x1xi1> to vector<512x40xi1>
    %broadcast_in_dim3A_65 = vector.broadcast %jit3A_62 : f32 to vector<512x40xf32>
    %select_n3A_66 = arith.select %broadcast_in_dim3A_64, %slice3A_61, %broadcast_in_dim3A_65 : vector<512x40xi1>, vector<512x40xf32>
    %add3A_67 = arith.addf %add3A_57, %select_n3A_66 : vector<512x40xf32>
    %eq3A_68 = arith.constant 2 : i32
    %eq3A_69 = vector.broadcast %eq3A_68 : i32 to vector<512x1xi32>
    %eq3A_70 = arith.cmpi eq, %broadcast_in_dim3A_41, %eq3A_69 : vector<512x1xi32>
    %slice3A_71 = vector.extract_strided_slice %dot_general3A_46 {offsets = [0, 80], sizes = [512, 40], strides = [1, 1]} : vector<512x640xf32> to vector<512x40xf32>
    %jit3A_72 = arith.constant 0.000000e+00 : f32
    %broadcast_in_dim3A_73 = vector.shape_cast %eq3A_70 : vector<512x1xi1> to vector<512x1xi1>
    %broadcast_in_dim3A_74 = vector.broadcast %broadcast_in_dim3A_73 : vector<512x1xi1> to vector<512x40xi1>
    %broadcast_in_dim3A_75 = vector.broadcast %jit3A_72 : f32 to vector<512x40xf32>
    %select_n3A_76 = arith.select %broadcast_in_dim3A_74, %slice3A_71, %broadcast_in_dim3A_75 : vector<512x40xi1>, vector<512x40xf32>
    %add3A_77 = arith.addf %add3A_67, %select_n3A_76 : vector<512x40xf32>
    %eq3A_78 = arith.constant 3 : i32
    %eq3A_79 = vector.broadcast %eq3A_78 : i32 to vector<512x1xi32>
    %eq3A_80 = arith.cmpi eq, %broadcast_in_dim3A_41, %eq3A_79 : vector<512x1xi32>
    %slice3A_81 = vector.extract_strided_slice %dot_general3A_46 {offsets = [0, 120], sizes = [512, 40], strides = [1, 1]} : vector<512x640xf32> to vector<512x40xf32>
    %jit3A_82 = arith.constant 0.000000e+00 : f32
    %broadcast_in_dim3A_83 = vector.shape_cast %eq3A_80 : vector<512x1xi1> to vector<512x1xi1>
    %broadcast_in_dim3A_84 = vector.broadcast %broadcast_in_dim3A_83 : vector<512x1xi1> to vector<512x40xi1>
    %broadcast_in_dim3A_85 = vector.broadcast %jit3A_82 : f32 to vector<512x40xf32>
    %select_n3A_86 = arith.select %broadcast_in_dim3A_84, %slice3A_81, %broadcast_in_dim3A_85 : vector<512x40xi1>, vector<512x40xf32>
    %add3A_87 = arith.addf %add3A_77, %select_n3A_86 : vector<512x40xf32>
    %eq3A_88 = arith.constant 4 : i32
    %eq3A_89 = vector.broadcast %eq3A_88 : i32 to vector<512x1xi32>
    %eq3A_90 = arith.cmpi eq, %broadcast_in_dim3A_41, %eq3A_89 : vector<512x1xi32>
    %slice3A_91 = vector.extract_strided_slice %dot_general3A_46 {offsets = [0, 160], sizes = [512, 40], strides = [1, 1]} : vector<512x640xf32> to vector<512x40xf32>
    %jit3A_92 = arith.constant 0.000000e+00 : f32
    %broadcast_in_dim3A_93 = vector.shape_cast %eq3A_90 : vector<512x1xi1> to vector<512x1xi1>
    %broadcast_in_dim3A_94 = vector.broadcast %broadcast_in_dim3A_93 : vector<512x1xi1> to vector<512x40xi1>
    %broadcast_in_dim3A_95 = vector.broadcast %jit3A_92 : f32 to vector<512x40xf32>
    %select_n3A_96 = arith.select %broadcast_in_dim3A_94, %slice3A_91, %broadcast_in_dim3A_95 : vector<512x40xi1>, vector<512x40xf32>
    %add3A_97 = arith.addf %add3A_87, %select_n3A_96 : vector<512x40xf32>
    %eq3A_98 = arith.constant 5 : i32
    %eq3A_99 = vector.broadcast %eq3A_98 : i32 to vector<512x1xi32>
    %eq3A_100 = arith.cmpi eq, %broadcast_in_dim3A_41, %eq3A_99 : vector<512x1xi32>
    %slice3A_101 = vector.extract_strided_slice %dot_general3A_46 {offsets = [0, 200], sizes = [512, 40], strides = [1, 1]} : vector<512x640xf32> to vector<512x40xf32>
    %jit3A_102 = arith.constant 0.000000e+00 : f32
    %broadcast_in_dim3A_103 = vector.shape_cast %eq3A_100 : vector<512x1xi1> to vector<512x1xi1>
    %broadcast_in_dim3A_104 = vector.broadcast %broadcast_in_dim3A_103 : vector<512x1xi1> to vector<512x40xi1>
    %broadcast_in_dim3A_105 = vector.broadcast %jit3A_102 : f32 to vector<512x40xf32>
    %select_n3A_106 = arith.select %broadcast_in_dim3A_104, %slice3A_101, %broadcast_in_dim3A_105 : vector<512x40xi1>, vector<512x40xf32>
    %add3A_107 = arith.addf %add3A_97, %select_n3A_106 : vector<512x40xf32>
    %eq3A_108 = arith.constant 6 : i32
    %eq3A_109 = vector.broadcast %eq3A_108 : i32 to vector<512x1xi32>
    %eq3A_110 = arith.cmpi eq, %broadcast_in_dim3A_41, %eq3A_109 : vector<512x1xi32>
    %slice3A_111 = vector.extract_strided_slice %dot_general3A_46 {offsets = [0, 240], sizes = [512, 40], strides = [1, 1]} : vector<512x640xf32> to vector<512x40xf32>
    %jit3A_112 = arith.constant 0.000000e+00 : f32
    %broadcast_in_dim3A_113 = vector.shape_cast %eq3A_110 : vector<512x1xi1> to vector<512x1xi1>
    %broadcast_in_dim3A_114 = vector.broadcast %broadcast_in_dim3A_113 : vector<512x1xi1> to vector<512x40xi1>
    %broadcast_in_dim3A_115 = vector.broadcast %jit3A_112 : f32 to vector<512x40xf32>
    %select_n3A_116 = arith.select %broadcast_in_dim3A_114, %slice3A_111, %broadcast_in_dim3A_115 : vector<512x40xi1>, vector<512x40xf32>
    %add3A_117 = arith.addf %add3A_107, %select_n3A_116 : vector<512x40xf32>
    %eq3A_118 = arith.constant 7 : i32
    %eq3A_119 = vector.broadcast %eq3A_118 : i32 to vector<512x1xi32>
    %eq3A_120 = arith.cmpi eq, %broadcast_in_dim3A_41, %eq3A_119 : vector<512x1xi32>
    %slice3A_121 = vector.extract_strided_slice %dot_general3A_46 {offsets = [0, 280], sizes = [512, 40], strides = [1, 1]} : vector<512x640xf32> to vector<512x40xf32>
    %jit3A_122 = arith.constant 0.000000e+00 : f32
    %broadcast_in_dim3A_123 = vector.shape_cast %eq3A_120 : vector<512x1xi1> to vector<512x1xi1>
    %broadcast_in_dim3A_124 = vector.broadcast %broadcast_in_dim3A_123 : vector<512x1xi1> to vector<512x40xi1>
    %broadcast_in_dim3A_125 = vector.broadcast %jit3A_122 : f32 to vector<512x40xf32>
    %select_n3A_126 = arith.select %broadcast_in_dim3A_124, %slice3A_121, %broadcast_in_dim3A_125 : vector<512x40xi1>, vector<512x40xf32>
    %add3A_127 = arith.addf %add3A_117, %select_n3A_126 : vector<512x40xf32>
    %eq3A_128 = arith.constant 8 : i32
    %eq3A_129 = vector.broadcast %eq3A_128 : i32 to vector<512x1xi32>
    %eq3A_130 = arith.cmpi eq, %broadcast_in_dim3A_41, %eq3A_129 : vector<512x1xi32>
    %slice3A_131 = vector.extract_strided_slice %dot_general3A_46 {offsets = [0, 320], sizes = [512, 40], strides = [1, 1]} : vector<512x640xf32> to vector<512x40xf32>
    %jit3A_132 = arith.constant 0.000000e+00 : f32
    %broadcast_in_dim3A_133 = vector.shape_cast %eq3A_130 : vector<512x1xi1> to vector<512x1xi1>
    %broadcast_in_dim3A_134 = vector.broadcast %broadcast_in_dim3A_133 : vector<512x1xi1> to vector<512x40xi1>
    %broadcast_in_dim3A_135 = vector.broadcast %jit3A_132 : f32 to vector<512x40xf32>
    %select_n3A_136 = arith.select %broadcast_in_dim3A_134, %slice3A_131, %broadcast_in_dim3A_135 : vector<512x40xi1>, vector<512x40xf32>
    %add3A_137 = arith.addf %add3A_127, %select_n3A_136 : vector<512x40xf32>
    %eq3A_138 = arith.constant 9 : i32
    %eq3A_139 = vector.broadcast %eq3A_138 : i32 to vector<512x1xi32>
    %eq3A_140 = arith.cmpi eq, %broadcast_in_dim3A_41, %eq3A_139 : vector<512x1xi32>
    %slice3A_141 = vector.extract_strided_slice %dot_general3A_46 {offsets = [0, 360], sizes = [512, 40], strides = [1, 1]} : vector<512x640xf32> to vector<512x40xf32>
    %jit3A_142 = arith.constant 0.000000e+00 : f32
    %broadcast_in_dim3A_143 = vector.shape_cast %eq3A_140 : vector<512x1xi1> to vector<512x1xi1>
    %broadcast_in_dim3A_144 = vector.broadcast %broadcast_in_dim3A_143 : vector<512x1xi1> to vector<512x40xi1>
    %broadcast_in_dim3A_145 = vector.broadcast %jit3A_142 : f32 to vector<512x40xf32>
    %select_n3A_146 = arith.select %broadcast_in_dim3A_144, %slice3A_141, %broadcast_in_dim3A_145 : vector<512x40xi1>, vector<512x40xf32>
    %add3A_147 = arith.addf %add3A_137, %select_n3A_146 : vector<512x40xf32>
    %eq3A_148 = arith.constant 10 : i32
    %eq3A_149 = vector.broadcast %eq3A_148 : i32 to vector<512x1xi32>
    %eq3A_150 = arith.cmpi eq, %broadcast_in_dim3A_41, %eq3A_149 : vector<512x1xi32>
    %slice3A_151 = vector.extract_strided_slice %dot_general3A_46 {offsets = [0, 400], sizes = [512, 40], strides = [1, 1]} : vector<512x640xf32> to vector<512x40xf32>
    %jit3A_152 = arith.constant 0.000000e+00 : f32
    %broadcast_in_dim3A_153 = vector.shape_cast %eq3A_150 : vector<512x1xi1> to vector<512x1xi1>
    %broadcast_in_dim3A_154 = vector.broadcast %broadcast_in_dim3A_153 : vector<512x1xi1> to vector<512x40xi1>
    %broadcast_in_dim3A_155 = vector.broadcast %jit3A_152 : f32 to vector<512x40xf32>
    %select_n3A_156 = arith.select %broadcast_in_dim3A_154, %slice3A_151, %broadcast_in_dim3A_155 : vector<512x40xi1>, vector<512x40xf32>
    %add3A_157 = arith.addf %add3A_147, %select_n3A_156 : vector<512x40xf32>
    %eq3A_158 = arith.constant 11 : i32
    %eq3A_159 = vector.broadcast %eq3A_158 : i32 to vector<512x1xi32>
    %eq3A_160 = arith.cmpi eq, %broadcast_in_dim3A_41, %eq3A_159 : vector<512x1xi32>
    %slice3A_161 = vector.extract_strided_slice %dot_general3A_46 {offsets = [0, 440], sizes = [512, 40], strides = [1, 1]} : vector<512x640xf32> to vector<512x40xf32>
    %jit3A_162 = arith.constant 0.000000e+00 : f32
    %broadcast_in_dim3A_163 = vector.shape_cast %eq3A_160 : vector<512x1xi1> to vector<512x1xi1>
    %broadcast_in_dim3A_164 = vector.broadcast %broadcast_in_dim3A_163 : vector<512x1xi1> to vector<512x40xi1>
    %broadcast_in_dim3A_165 = vector.broadcast %jit3A_162 : f32 to vector<512x40xf32>
    %select_n3A_166 = arith.select %broadcast_in_dim3A_164, %slice3A_161, %broadcast_in_dim3A_165 : vector<512x40xi1>, vector<512x40xf32>
    %add3A_167 = arith.addf %add3A_157, %select_n3A_166 : vector<512x40xf32>
    %eq3A_168 = arith.constant 12 : i32
    %eq3A_169 = vector.broadcast %eq3A_168 : i32 to vector<512x1xi32>
    %eq3A_170 = arith.cmpi eq, %broadcast_in_dim3A_41, %eq3A_169 : vector<512x1xi32>
    %slice3A_171 = vector.extract_strided_slice %dot_general3A_46 {offsets = [0, 480], sizes = [512, 40], strides = [1, 1]} : vector<512x640xf32> to vector<512x40xf32>
    %jit3A_172 = arith.constant 0.000000e+00 : f32
    %broadcast_in_dim3A_173 = vector.shape_cast %eq3A_170 : vector<512x1xi1> to vector<512x1xi1>
    %broadcast_in_dim3A_174 = vector.broadcast %broadcast_in_dim3A_173 : vector<512x1xi1> to vector<512x40xi1>
    %broadcast_in_dim3A_175 = vector.broadcast %jit3A_172 : f32 to vector<512x40xf32>
    %select_n3A_176 = arith.select %broadcast_in_dim3A_174, %slice3A_171, %broadcast_in_dim3A_175 : vector<512x40xi1>, vector<512x40xf32>
    %add3A_177 = arith.addf %add3A_167, %select_n3A_176 : vector<512x40xf32>
    %eq3A_178 = arith.constant 13 : i32
    %eq3A_179 = vector.broadcast %eq3A_178 : i32 to vector<512x1xi32>
    %eq3A_180 = arith.cmpi eq, %broadcast_in_dim3A_41, %eq3A_179 : vector<512x1xi32>
    %slice3A_181 = vector.extract_strided_slice %dot_general3A_46 {offsets = [0, 520], sizes = [512, 40], strides = [1, 1]} : vector<512x640xf32> to vector<512x40xf32>
    %jit3A_182 = arith.constant 0.000000e+00 : f32
    %broadcast_in_dim3A_183 = vector.shape_cast %eq3A_180 : vector<512x1xi1> to vector<512x1xi1>
    %broadcast_in_dim3A_184 = vector.broadcast %broadcast_in_dim3A_183 : vector<512x1xi1> to vector<512x40xi1>
    %broadcast_in_dim3A_185 = vector.broadcast %jit3A_182 : f32 to vector<512x40xf32>
    %select_n3A_186 = arith.select %broadcast_in_dim3A_184, %slice3A_181, %broadcast_in_dim3A_185 : vector<512x40xi1>, vector<512x40xf32>
    %add3A_187 = arith.addf %add3A_177, %select_n3A_186 : vector<512x40xf32>
    %eq3A_188 = arith.constant 14 : i32
    %eq3A_189 = vector.broadcast %eq3A_188 : i32 to vector<512x1xi32>
    %eq3A_190 = arith.cmpi eq, %broadcast_in_dim3A_41, %eq3A_189 : vector<512x1xi32>
    %slice3A_191 = vector.extract_strided_slice %dot_general3A_46 {offsets = [0, 560], sizes = [512, 40], strides = [1, 1]} : vector<512x640xf32> to vector<512x40xf32>
    %jit3A_192 = arith.constant 0.000000e+00 : f32
    %broadcast_in_dim3A_193 = vector.shape_cast %eq3A_190 : vector<512x1xi1> to vector<512x1xi1>
    %broadcast_in_dim3A_194 = vector.broadcast %broadcast_in_dim3A_193 : vector<512x1xi1> to vector<512x40xi1>
    %broadcast_in_dim3A_195 = vector.broadcast %jit3A_192 : f32 to vector<512x40xf32>
    %select_n3A_196 = arith.select %broadcast_in_dim3A_194, %slice3A_191, %broadcast_in_dim3A_195 : vector<512x40xi1>, vector<512x40xf32>
    %add3A_197 = arith.addf %add3A_187, %select_n3A_196 : vector<512x40xf32>
    %eq3A_198 = arith.constant 15 : i32
    %eq3A_199 = vector.broadcast %eq3A_198 : i32 to vector<512x1xi32>
    %eq3A_200 = arith.cmpi eq, %broadcast_in_dim3A_41, %eq3A_199 : vector<512x1xi32>
    %slice3A_201 = vector.extract_strided_slice %dot_general3A_46 {offsets = [0, 600], sizes = [512, 40], strides = [1, 1]} : vector<512x640xf32> to vector<512x40xf32>
    %jit3A_202 = arith.constant 0.000000e+00 : f32
    %broadcast_in_dim3A_203 = vector.shape_cast %eq3A_200 : vector<512x1xi1> to vector<512x1xi1>
    %broadcast_in_dim3A_204 = vector.broadcast %broadcast_in_dim3A_203 : vector<512x1xi1> to vector<512x40xi1>
    %broadcast_in_dim3A_205 = vector.broadcast %jit3A_202 : f32 to vector<512x40xf32>
    %select_n3A_206 = arith.select %broadcast_in_dim3A_204, %slice3A_201, %broadcast_in_dim3A_205 : vector<512x40xi1>, vector<512x40xf32>
    %add3A_207 = arith.addf %add3A_197, %select_n3A_206 : vector<512x40xf32>
    %swap3A = arith.constant 0 : index
    %swap3A_208 = arith.constant 0 : index
    %swap3A_209 = vector.load %arg7[%swap3A, %swap3A_208] : memref<512x40xf32, #tpu.memory_space<vmem>>, vector<512x40xf32>
    tpu.vector_store %arg7[%swap3A, %swap3A_208], %add3A_207 {strides = array<i32>} : memref<512x40xf32, #tpu.memory_space<vmem>>, vector<512x40xf32>,
    return
  }
  func.func @transform_0(%arg0: i32) -> (i32, i32, i32) {
    %c0_i32 = arith.constant 0 : i32
    %c0_i32_0 = arith.constant 0 : i32
    %c0_i32_1 = arith.constant 0 : i32
    return %c0_i32, %arg0, %c0_i32_0 : i32, i32, i32
  }
  func.func @transform_1(%arg0: i32) -> (i32, i32) {
    %c0_i32 = arith.constant 0 : i32
    %c0_i32_0 = arith.constant 0 : i32
    return %arg0, %c0_i32 : i32, i32
  }
  func.func @transform_2(%arg0: i32) -> (i32, i32) {
    %c0_i32 = arith.constant 0 : i32
    %c0_i32_0 = arith.constant 0 : i32
    %c0_i32_1 = arith.constant 0 : i32
    return %c0_i32, %c0_i32_0 : i32, i32
  }
  func.func @transform_3(%arg0: i32) -> (i32, i32) {
    %c0_i32 = arith.constant 0 : i32
    %c0_i32_0 = arith.constant 0 : i32
    return %arg0, %c0_i32 : i32, i32
  }
  func.func @transform_4(%arg0: i32) -> (i32, i32) {
    %c0_i32 = arith.constant 0 : i32
    %c0_i32_0 = arith.constant 0 : i32
    %c0_i32_1 = arith.constant 0 : i32
    return %c0_i32, %c0_i32_0 : i32, i32
  }
  func.func @transform_5(%arg0: i32) -> (i32, i32) {
    %c0_i32 = arith.constant 0 : i32
    %c0_i32_0 = arith.constant 0 : i32
    %c0_i32_1 = arith.constant 0 : i32
    return %c0_i32, %c0_i32_0 : i32, i32
  }
  func.func @transform_6(%arg0: i32) -> (i32, i32) {
    %c0_i32 = arith.constant 0 : i32
    %c0_i32_0 = arith.constant 0 : i32
    return %arg0, %c0_i32 : i32, i32
  }
}

</mosaic_0001>

<sc_bundles>
// kernel: kernel.5.cloned.1.call-start
scs
__scs_entry_jumppad:
0x0: {  	(pc) =	sbr.rel $0x88, $3  }
0x1: {  	(tag) =	ssettag $0x0;
	lr =	simm.s32 $0x1  }
0x2: {  	[smem:$0x3F9D] =	sst lr;
	_ =	strace $0xD0000000  }
0x3: {  	_ = 	snop  }
0x4: {  	_ = 	snop  }
0x5: {  	_ = 	snop  }
0x6: {  	_ = 	snop  }
0x7: {  	_ = 	snop  }
__scs_overlays_trampoline_lowered:
0x8: {  	[smem:$0x3FAC] =	sst s0  }
0x9: {  	[smem:$0x3FAD] =	sst s1  }
0xa: {  	[smem:$0x3FAE] =	sst s2  }
0xb: {  	[smem:$0x3FAF] =	sst s3  }
0xc: {  	[smem:$0x3FB0] =	sst s4  }
0xd: {  	[smem:$0x3FB1] =	sst s5  }
0xe: {  	[smem:$0x3FB2] =	sst s6  }
0xf: {  	[smem:$0x3FB3] =	sst s7  }
0x10: {  	[smem:$0x3FB4] =	sst s8  }
0x11: {  	[smem:$0x3FB5] =	sst s9;
	s0 =	simm.s32 @!p0 $0x0  }
0x12: {  	s1 =	sld [smem:$0x3F9B];
	s0 =	simm.s32 @p0 $0x1  }
0x13: {  	[smem:$0x3FB6] =	sst s0;
	s0 =	simm.s32 @!p1 $0x0  }
0x14: {  	s2 =	sld [smem:$0x3F9A];
	s0 =	simm.s32 @p1 $0x1  }
0x15: {  	[smem:$0x3FB7] =	sst s0;
	s0 =	simm.s32 @!p2 $0x0  }
0x16: {  	s3 =	sld [smem:$0x3FDB];
	s0 =	simm.s32 @p2 $0x1  }
0x17: {  	s4 =	simm.s32 $0x1BF5;
	[smem:$0x3FB9] =	sst s0  }
0x18: {  	s0 =	sld [smem:$0x3F9C];
	_ =	swait.ge [sflag:s4], $0x0  }
0x19: {  	s7 =	sld [smem:$0x3F9D]  }
0x1a: {  	s8 =	sadd.s32 $0xFFFFE003, lr  }
0x1b: {  	s9 =	sadd.s32 $0xFFFFFEF7, lr;
	s5 =	simm.s32 $0xFFFFFFFF;
	p2 =	slt.u32 s8, $0xFFFFF086  }
0x1c: {  	p1 =	slt.u32 s9, $0xF7A;
	s5 =	simm.s32 @!p2 $0x0  }
0x1d: {  	s5 =	simm.s32 @p1 $0x1;
	p0 =	seq.s32 s7, s2  }
0x1e: {  	s7 =	smul.u32 @!p0 $0xF7A, s2;
	p2 =	seq.s32 @!p0 s5, $0x0  }
0x1f: {  	s9 =	smul.u32 $0xF7A, s1;
	s8 =	simm.s32 @!p0 $0x1BF5;
	p2 =	por !p2, p0  }
0x20: {  	[sflag:s8] =	ssyncset.s32 @!p0 $0xFFFFF086;
	s6 =	sadd.s32 @!p0 s3, s7;
	s7 =	simm.s32 @!p0 $0x108  }
0x21: {  	s3 =	sadd.s32 s3, s9;
	s6 =	sadd.s32 @!p0 $0x88, s6;
	s7 =	simm.s32 @p2 $0x1082  }
0x22: {  	[simem:s7], [sflag:s8] =	dma.local @!p0 [hbm:s6], $0xF7A  }
0x23: {  	s9 =	sor.u32 $0xD0000000, s2;
	s6 =	simm.s32 $0x108;
	_ =	swait.ge @!p0 [sflag:s8], $0x0  }
0x24: {  	s3 =	sadd.s32 $0x88, s3;
	s6 =	simm.s32 @!p1 $0x1082;
	[sflag:s4] =	ssyncset.s32 $0xFFFFF086  }
0x25: {  	[simem:s6], [sflag:s4] =	dma.local [hbm:s3], $0xF7A  }
0x26: {  	[smem:$0x3F9D] =	sst s1;
	(tag) =	ssettag s2;
	_ =	strace s9  }
0x27: {  	s1 =	sld [smem:$0x3FAD]  }
0x28: {  	s2 =	sld [smem:$0x3FAE]  }
0x29: {  	s4 =	sld [smem:$0x3FB0]  }
0x2a: {  	p0 =	seq.s32 s5, $0x0;
	s5 =	sld [smem:$0x3FB1]  }
0x2b: {  	s6 =	sld [smem:$0x3FB2]  }
0x2c: {  	s7 =	sld [smem:$0x3FB3]  }
0x2d: {  	s3 =	simm.s32 $0x108;
	s8 =	sld [smem:$0x3FB4]  }
0x2e: {  	s3 =	simm.s32 @!p0 $0x1082;
	s9 =	sld [smem:$0x3FB5]  }
0x2f: {  	lr =	sadd.s32 s0, s3;
	s0 =	sld [smem:$0x3FAC]  }
0x30: {  	s3 =	sld [smem:$0x3FAF]  }
0x31: {  	[smem:$0x3FB8] =	sst s10  }
0x32: {  	s10 =	sld [smem:$0x3FB6];
	_ =	sdelay $0x3  }
0x33: {  	p0 =	seq.s32 s10, $0x1;
	s10 =	sld [smem:$0x3FB8];
	_ =	sdelay $0x3  }
0x34: {  	[smem:$0x3FB8] =	sst s10  }
0x35: {  	s10 =	sld [smem:$0x3FB7];
	_ =	sdelay $0x3  }
0x36: {  	p1 =	seq.s32 s10, $0x1;
	s10 =	sld [smem:$0x3FB8];
	_ =	sdelay $0x3  }
0x37: {  	[smem:$0x3FB8] =	sst s10  }
0x38: {  	s10 =	sld [smem:$0x3FB9]  }
0x39: {  	_ = 	snop;
	(pc) =	sbr.ind lr, $3  }
0x3a: {  	_ = 	snop  }
0x3b: {  	_ = 	snop  }
0x3c: {  	p2 =	seq.s32 s10, $0x1;
	s10 =	sld [smem:$0x3FB8]  }
0x3d: {  	_ =	shalt  }
0x3e: {  	_ =	shalt  }
0x3f: {  	_ =	shalt  }
0x40: {  	_ =	shalt  }
0x41: {  	_ =	shalt  }
0x42: {  	_ =	shalt  }
0x43: {  	_ =	shalt  }
0x44: {  	_ =	shalt  }
0x45: {  	_ =	shalt  }
0x46: {  	_ =	shalt  }
0x47: {  	_ =	shalt  }
0x48: {  	_ =	shalt  }
0x49: {  	_ =	shalt  }
0x4a: {  	_ =	shalt  }
0x4b: {  	_ =	shalt  }
0x4c: {  	_ =	shalt  }
0x4d: {  	_ =	shalt  }
0x4e: {  	_ =	shalt  }
0x4f: {  	_ =	shalt  }
0x50: {  	_ =	shalt  }
0x51: {  	_ =	shalt  }
0x52: {  	_ =	shalt  }
0x53: {  	_ =	shalt  }
0x54: {  	_ =	shalt  }
0x55: {  	_ =	shalt  }
0x56: {  	_ =	shalt  }
0x57: {  	_ =	shalt  }
0x58: {  	_ =	shalt  }
0x59: {  	_ =	shalt  }
0x5a: {  	_ =	shalt  }
0x5b: {  	_ =	shalt  }
0x5c: {  	_ =	shalt  }
0x5d: {  	_ =	shalt  }
0x5e: {  	_ =	shalt  }
0x5f: {  	_ =	shalt  }
0x60: {  	_ =	shalt  }
0x61: {  	_ =	shalt  }
0x62: {  	_ =	shalt  }
0x63: {  	_ =	shalt  }
0x64: {  	_ =	shalt  }
0x65: {  	_ =	shalt  }
0x66: {  	_ =	shalt  }
0x67: {  	_ =	shalt  }
0x68: {  	_ =	shalt  }
0x69: {  	_ =	shalt  }
0x6a: {  	_ =	shalt  }
0x6b: {  	_ =	shalt  }
0x6c: {  	_ =	shalt  }
0x6d: {  	_ =	shalt  }
0x6e: {  	_ =	shalt  }
0x6f: {  	_ =	shalt  }
0x70: {  	_ =	shalt  }
0x71: {  	_ =	shalt  }
0x72: {  	_ =	shalt  }
0x73: {  	_ =	shalt  }
0x74: {  	_ =	shalt  }
0x75: {  	_ =	shalt  }
0x76: {  	_ =	shalt  }
0x77: {  	_ =	shalt  }
0x78: {  	_ =	shalt  }
0x79: {  	_ =	shalt  }
0x7a: {  	_ =	shalt  }
0x7b: {  	_ =	shalt  }
0x7c: {  	_ =	shalt  }
0x7d: {  	_ =	shalt  }
0x7e: {  	_ =	shalt  }
0x7f: {  	_ =	shalt  }
0x80: {  	_ =	shalt  }
0x81: {  	_ =	shalt  }
0x82: {  	_ =	shalt  }
0x83: {  	_ =	shalt  }
0x84: {  	_ =	shalt  }
0x85: {  	_ =	shalt  }
0x86: {  	_ =	shalt  }
0x87: {  	_ =	shalt  }
.Lfunc_end0:
.L_simem_size_0:
called_computation_lowered:
.L_overlay_start_0:
0x88: {  	s2 =	sld [smem:$0x3FD9]  }
0x89: {  	s3 =	sld [smem:$0x3FFE];
	_ =	sdelay $0x1  }
0x8a: {  	s1 =	srdreg.scid  }
0x8b: {  	s0 =	sand.u32 $0x1, s1  }
0x8c: {  	s17 =	sshll.u32 s0, $0xA;
	s2 =	sadd.s32 s3, s2  }
0x8d: {  	s2 =	sadd.s32 s2, s17  }
0x8e: {  	[smem:$0x3FC4] =	sst s2  }
0x8f: {  	_ = 	snop  }
0x90: {  	s2 =	sld [smem:$0x3FC9];
	(tm) =	ssettm $0x1  }
0x91: {  	s18 =	sld [smem:$0x3FFB];
	_ =	sdelay $0x3  }
0x92: {  	_ =	strace s18  }
0x93: {  	s3 =	sld [smem:$0x3FFC];
	_ =	sdelay $0x3  }
0x94: {  	_ =	strace s3  }
0x95: {  	s3 =	sld [smem:$0x3FFD];
	_ =	sdelay $0x3  }
0x96: {  	_ =	strace s3  }
0x97: {  	_ =	strace $0x8FFFFFFF  }
0x98: {  	s19 =	sld [smem:$0x3FDB];
	_ =	sdelay $0x1  }
0x99: {  	s4 =	simm.s32 $_scs_section_size  }
0x9a: {  	s5 =	simm.s32 $_size__tile_overlayer_lowered;
	s6 =	simm.s32 $_tile_overlayer_lowered  }
0x9b: {  	s22 =	simm.s32 $0x1BFF;
	s21 =	sshll.u32 s6, $0x1;
	s3 =	sadd.s32 s4, s19  }
0x9c: {  	s7 =	simm.s32 $0x0;
	s20 =	sshll.u32 s5, $0x1;
	s5 =	sadd.s32 s21, s3  }
0x9d: {  	[timem:s7], [sflag:s22] =	dma.local [hbm:s5], s20  }
0x9e: {  	_ =	swait.ge [sflag:s22], s20  }
0x9f: {  	s4 =	ssub.s32 $0x0, s20;
	[sflag:s22] =	ssyncset.done $0x0  }
0xa0: {  	[sflag:s22] =	ssyncadd.s32 s4;
	_ =	sdelay $0x1  }
0xa1: {  	s23 =	simm.s32 $0x1B8B  }
0xa2: {  	_ =	swait.ge [sflag:s23], $0x1  }
0xa3: {  	[sflag:s23] =	ssyncset.done $0x0  }
0xa4: {  	s25 =	simm.s32 $0x1B8E;
	s24 =	sld [smem:$0x3FFE];
	[sflag:s23] =	ssyncadd.s32 $0xFFFFFFFF  }
0xa5: {  	s26 =	simm.s32 $execute0_lowered;
	[smem:$0x3FD2] =	sst s25  }
0xa6: {  	s5 =	sshll.u32 s26, $0x1;
	_ =	strace $0x80000046;
	[dreg:$0x1] =	wrdreg $0xFFFFFFFF  }
0xa7: {  	s28 =	simm.s32 $_size_execute0_lowered;
	s3 =	sadd.s32 s3, s5;
	[dreg:$0x0] =	wrdreg $0x0  }
0xa8: {  	s5 =	sshll.u32 s28, $0x1;
	[dreg:$0x2] =	wrdreg s3  }
0xa9: {  	[dreg:$0x3] =	wrdreg s5  }
0xaa: {  	[dreg:$0x4] =	wrdreg $0xC0  }
0xab: {  	_ =	task [dreg:s7], $0x5FFFF  }
0xac: {  	[dreg:$0x1] =	wrdreg $0xFFFFFFFF  }
0xad: {  	[dreg:$0x0] =	wrdreg $0x60  }
0xae: {  	[dreg:$0x2] =	wrdreg s2  }
0xaf: {  	[dreg:$0x3] =	wrdreg s24  }
0xb0: {  	[dreg:$0x4] =	wrdreg $0x0  }
0xb1: {  	[dreg:$0x5] =	wrdreg $0x9  }
0xb2: {  	_ =	task.clear_ibuf [dreg:s7], $0x6FFFF;
	_ =	strace $0x90000046  }
0xb3: {  	s29 =	simm.s32 $0x9;
	_ =	strace $0x80000048  }
0xb4: {  	_ =	swait.ge [sflag:s29], $0x1  }
0xb5: {  	[sflag:s29] =	ssyncadd.s32 $0xFFFFFFFF  }
0xb6: {  	_ =	strace $0x90000048  }
0xb7: {  	_ =	sfence  }
0xb8: {  	s30 =	sld [smem:$0x0];
	_ =	sdelay $0x2  }
0xb9: {  	s31 =	sshll.u32 s1, $0xD;
	s1 =	sshrl.u32 s1, $0x2  }
0xba: {  	s3 =	sand.u32 $0x4000, s31;
	s1 =	sadd.s32 s1, s30  }
0xbb: {  	s0 =	sor.u32 s3, s0;
	s1 =	sshll.u32 s1, $0x11  }
0xbc: {  	s0 =	sor.u32 s1, s0  }
0xbd: {  	s0 =	sadd.s32 $0x8F2B, s0  }
0xbe: {  	[sflag:s0] =	ssyncadd.remote.s32 $0x1  }
0xbf: {  	_ =	sfence.sel $0xFFFF  }
0xc0: {  	[dreg:$0x0] =	wrdreg $0xFFFFFFFF;
	(pc) =	sbr.abs _section_cstart, $3  }
0xc1: {  	[dreg:$0x1] =	wrdreg $0xFFFFFFFF  }
0xc2: {  	_ =	task.clear_ibuf [dreg:s7], $0x2FFFF;
	_ =	strace $0x9FFFFFFF  }
0xc3: {  	(tm) =	ssettm $0x7FFFFFFF  }
tec
execute0_lowered:
.L_overlay_start_1:
0x0: {  	(tag) =	ssettag $0x1  }
0x1: {  	s0 =	rddreg [dreg:$0x0]  }
0x2: {  	s1 =	rddreg [dreg:$0x1]  }
0x3: {  	s2 =	srdreg.scid;
	s3 =	rddreg [dreg:$0x2]  }
0x4: {  	s13 =	stileid.u32;
	s4 =	simm.s32 $0x0;
	s18 =	simm.s32 $0x1C200  }
0x5: {  	s19 =	simm.s32 $0x3;
	s20 =	simm.s32 $0x14000;
	s21 =	simm.s32 $0x80  }
0x6: {  	s22 =	simm.s32 $0x14200;
	s23 =	simm.s32 $0x1;
	s24 =	simm.s32 $0x14100  }
0x7: {  	s28 =	simm.s32 $0x2;
	s29 =	simm.s32 $0x14180;
	s6 =	smul.u32 $0x14000, s13  }
0x8: {  	s30 =	simm.s32 $0x0;
	s2 =	sand.u32 $0x1, s2;
	s8 =	smul.u32 $0x50000, s13  }
0x9: {  	[smem:$0x7FF] =	sst s4;
	s31 =	sshll.u32 s13, $0x5;
	s5 =	smul.u32 $0x140000, s2  }
0xa: {  	s7 =	sshll.u32 s2, $0x9;
	_ =	strace $0x80000047;
	s2 =	ssub.s32 $0x2, s2  }
0xb: {  	s15 =	sadd.s32 s7, s1;
	s26 =	sshrl.u32 s2, $0x1;
	s5 =	sadd.s32 s6, s5  }
0xc: {  	s25 =	sshrl.u32 s8, $0x2;
	s2 =	ssub.s32 s2, s26;
	s5 =	sshrl.u32 s5, $0x3  }
0xd: {  	s26 =	simm.s32 $0x14080;
	s1 =	sadd.s32 s5, s1;
	s5 =	sadd.s32 s25, s3  }
0xe: {  	s16 =	smax.u32 s2, $0x1;
	s25 =	simm.s32 $0x18200;
	s6 =	sadd.s32 $0x2000, s5  }
0xf: {  	s7 =	sadd.s32 $0x4000, s5;
	s8 =	sadd.s32 $0x6000, s5;
	s9 =	sadd.s32 $0x8000, s5  }
0x10: {  	s10 =	sadd.s32 $0xA000, s5;
	s11 =	sadd.s32 $0xC000, s5;
	s12 =	sadd.s32 $0xE000, s5  }
0x11: {  	s13 =	sadd.s32 $0x10000, s5;
	[dreg:$0x4] =	wrdreg s6;
	s6 =	sadd.s32 s31, s15  }
0x12: {  	v0 =	vimm.f32 $0.0e+00;
	s14 =	sadd.s32 $0x12000, s5;
	s15 =	sadd.s32 $0x14E00, s1;
	s17 =	sadd.s32 $0xE00, s6  }
.LBB2_1:
0x13: {  	s1 =	simm.s32 $0x0;
	s2 =	simm.s32 $0x200  }
.LBB2_2:
0x14: {  	p0 =	sne.s32 s2, $0x7E00;
	[tilespmem:s1+$0x1C270] =	vst v0  }
0x15: {  	[tilespmem:s1+$0x1C200] =	vst v0  }
0x16: {  	[tilespmem:s1+$0x1C210] =	vst v0  }
.Ltmp0:
0x17: {  	[tilespmem:s1+$0x1C220] =	vst v0;
	(pc) =	sbr.rel @p0 .LBB2_2-.Ltmp0, $4  }
0x18: {  	[tilespmem:s1+$0x1C230] =	vst v0  }
0x19: {  	[tilespmem:s1+$0x1C240] =	vst v0  }
0x1a: {  	[tilespmem:s1+$0x1C250] =	vst v0  }
0x1b: {  	[tilespmem:s1+$0x1C260] =	vst v0;
	s1 =	sshra.s32 s2, $0x2;
	s2 =	sadd.s32 $0x200, s2  }
0x1c: {  	[tilespmem:s1+$0x1C270] =	vst v0  }
0x1d: {  	[tilespmem:s1+$0x1C200] =	vst v0  }
0x1e: {  	[tilespmem:s1+$0x1C210] =	vst v0  }
0x1f: {  	[tilespmem:s1+$0x1C220] =	vst v0  }
0x20: {  	[tilespmem:s1+$0x1C230] =	vst v0  }
0x21: {  	[tilespmem:s1+$0x1C240] =	vst v0  }
0x22: {  	[tilespmem:s1+$0x1C250] =	vst v0  }
0x23: {  	[tilespmem:s1+$0x1C260] =	vst v0  }
0x24: {  	[spmem:s5] =	stream.linear.scatter [tilespmem:s18], [sflag:$0x3], $0x2000, $0x38;
	[tilespmem:$0x1E200] =	vst v63  }
0x25: {  	_ =	swait.ge [sflag:s19], $0x2000  }
0x26: {  	[sflag:s19] =	ssyncset.done $0x0  }
0x27: {  	s2 =	rddreg [dreg:$0x4];
	[sflag:s19] =	ssyncadd.s32 $0xFFFFE000  }
0x28: {  	[spmem:s2] =	stream.linear.scatter [tilespmem:s18], [sflag:$0x3], $0x2000, $0x38;
	[tilespmem:$0x1E200] =	vst v63  }
0x29: {  	_ =	swait.ge [sflag:s19], $0x2000  }
0x2a: {  	[sflag:s19] =	ssyncset.done $0x0  }
0x2b: {  	[sflag:s19] =	ssyncadd.s32 $0xFFFFE000  }
0x2c: {  	[spmem:s7] =	stream.linear.scatter [tilespmem:s18], [sflag:$0x3], $0x2000, $0x38;
	[tilespmem:$0x1E200] =	vst v63  }
0x2d: {  	_ =	swait.ge [sflag:s19], $0x2000  }
0x2e: {  	[sflag:s19] =	ssyncset.done $0x0  }
0x2f: {  	[sflag:s19] =	ssyncadd.s32 $0xFFFFE000  }
0x30: {  	[spmem:s8] =	stream.linear.scatter [tilespmem:s18], [sflag:$0x3], $0x2000, $0x38;
	[tilespmem:$0x1E200] =	vst v63  }
0x31: {  	_ =	swait.ge [sflag:s19], $0x2000  }
0x32: {  	[sflag:s19] =	ssyncset.done $0x0  }
0x33: {  	[sflag:s19] =	ssyncadd.s32 $0xFFFFE000  }
0x34: {  	[spmem:s9] =	stream.linear.scatter [tilespmem:s18], [sflag:$0x3], $0x2000, $0x38;
	[tilespmem:$0x1E200] =	vst v63  }
0x35: {  	_ =	swait.ge [sflag:s19], $0x2000  }
0x36: {  	[sflag:s19] =	ssyncset.done $0x0  }
0x37: {  	[sflag:s19] =	ssyncadd.s32 $0xFFFFE000  }
0x38: {  	[spmem:s10] =	stream.linear.scatter [tilespmem:s18], [sflag:$0x3], $0x2000, $0x38;
	[tilespmem:$0x1E200] =	vst v63  }
0x39: {  	_ =	swait.ge [sflag:s19], $0x2000  }
0x3a: {  	[sflag:s19] =	ssyncset.done $0x0  }
0x3b: {  	[sflag:s19] =	ssyncadd.s32 $0xFFFFE000  }
0x3c: {  	[spmem:s11] =	stream.linear.scatter [tilespmem:s18], [sflag:$0x3], $0x2000, $0x38;
	[tilespmem:$0x1E200] =	vst v63  }
0x3d: {  	_ =	swait.ge [sflag:s19], $0x2000  }
0x3e: {  	[sflag:s19] =	ssyncset.done $0x0  }
0x3f: {  	[sflag:s19] =	ssyncadd.s32 $0xFFFFE000  }
0x40: {  	[spmem:s12] =	stream.linear.scatter [tilespmem:s18], [sflag:$0x3], $0x2000, $0x38;
	[tilespmem:$0x1E200] =	vst v63  }
0x41: {  	_ =	swait.ge [sflag:s19], $0x2000  }
0x42: {  	[sflag:s19] =	ssyncset.done $0x0  }
0x43: {  	[sflag:s19] =	ssyncadd.s32 $0xFFFFE000  }
0x44: {  	[spmem:s13] =	stream.linear.scatter [tilespmem:s18], [sflag:$0x3], $0x2000, $0x38;
	[tilespmem:$0x1E200] =	vst v63  }
0x45: {  	_ =	swait.ge [sflag:s19], $0x2000  }
0x46: {  	[sflag:s19] =	ssyncset.done $0x0  }
0x47: {  	[sflag:s19] =	ssyncadd.s32 $0xFFFFE000  }
0x48: {  	[spmem:s14] =	stream.linear.scatter [tilespmem:s18], [sflag:$0x3], $0x2000, $0x38;
	[tilespmem:$0x1E200] =	vst v63  }
0x49: {  	_ =	swait.ge [sflag:s19], $0x2000  }
0x4a: {  	[sflag:s19] =	ssyncset.done $0x0  }
0x4b: {  	[sflag:s19] =	ssyncadd.s32 $0xFFFFE000  }
0x4c: {  	s1 =	sadd.s32 $0x0, s17;
	[bflag:$0x0] =	sbarrier.arrive $0xFFFF  }
0x4d: {  	[tilespmem:s20], [sflag:$0x3] =	stream.linear.gather [hbm4b:s1+s4], $0x100, $0x38;
	[tilespmem:$0x1E200] =	vst v63  }
0x4e: {  	_ =	swait.ge [sflag:s19], $0x100  }
0x4f: {  	[sflag:s19] =	ssyncset.done $0x0  }
0x50: {  	[sflag:s19] =	ssyncadd.s32 $0xFFFFFF00  }
0x51: {  	[tilespmem:s22], [sflag:$0x1] =	stream.indirect.gather [hbm4b:s0+s21], $0x80, s20, s21, $0xb8;
	[tilespmem:$0x1E200] =	vst v63  }
0x52: {  	_ =	swait.ge [sflag:s23], $0x4000  }
0x53: {  	[sflag:s23] =	ssyncset.done $0x0  }
0x54: {  	s2 =	sadd.s32 $0x400, s1;
	[sflag:s23] =	ssyncadd.s32 $0xFFFFC000  }
0x55: {  	[tilespmem:s24], [sflag:$0x3] =	stream.linear.gather [hbm4b:s2+s4], $0x100, $0x38;
	[tilespmem:$0x1E200] =	vst v63  }
0x56: {  	_ =	swait.ge [sflag:s19], $0x100  }
0x57: {  	[sflag:s19] =	ssyncset.done $0x0  }
0x58: {  	[sflag:s19] =	ssyncadd.s32 $0xFFFFFF00  }
0x59: {  	[tilespmem:s25], [sflag:$0x2] =	stream.indirect.gather [hbm4b:s0+s21], $0x80, s24, s21, $0xb8;
	[tilespmem:$0x1E200] =	vst v63  }
0x5a: {  	_ = 	snop  }
0x5b: {  	[spmem:s3] =	stream.indirect.scatter.add.f32 [tilespmem:s22], [sflag:$0x3], $0x80, s26, s21, $0xb8;
	[tilespmem:$0x1E200] =	vst v63  }
0x5c: {  	_ =	swait.ge [sflag:s19], $0x4000  }
0x5d: {  	[sflag:s19] =	ssyncset.done $0x0  }
0x5e: {  	[sflag:s19] =	ssyncadd.s32 $0xFFFFC000  }
0x5f: {  	_ =	swait.ge [sflag:s28], $0x4000  }
0x60: {  	[sflag:s28] =	ssyncset.done $0x0  }
0x61: {  	s6 =	sadd.s32 $0x800, s1;
	[sflag:s28] =	ssyncadd.s32 $0xFFFFC000  }
0x62: {  	[tilespmem:s20], [sflag:$0x3] =	stream.linear.gather [hbm4b:s6+s4], $0x100, $0x38;
	[tilespmem:$0x1E200] =	vst v63  }
0x63: {  	_ =	swait.ge [sflag:s19], $0x100  }
0x64: {  	[sflag:s19] =	ssyncset.done $0x0  }
0x65: {  	[sflag:s19] =	ssyncadd.s32 $0xFFFFFF00  }
0x66: {  	[tilespmem:s22], [sflag:$0x1] =	stream.indirect.gather [hbm4b:s0+s21], $0x80, s20, s21, $0xb8;
	[tilespmem:$0x1E200] =	vst v63  }
0x67: {  	_ = 	snop  }
0x68: {  	[spmem:s3] =	stream.indirect.scatter.add.f32 [tilespmem:s25], [sflag:$0x3], $0x80, s29, s21, $0xb8;
	[tilespmem:$0x1E200] =	vst v63  }
0x69: {  	_ =	swait.ge [sflag:s19], $0x4000  }
0x6a: {  	[sflag:s19] =	ssyncset.done $0x0  }
0x6b: {  	[sflag:s19] =	ssyncadd.s32 $0xFFFFC000  }
0x6c: {  	_ =	swait.ge [sflag:s23], $0x4000  }
0x6d: {  	[sflag:s23] =	ssyncset.done $0x0  }
0x6e: {  	s1 =	sadd.s32 $0xC00, s1;
	[sflag:s23] =	ssyncadd.s32 $0xFFFFC000  }
0x6f: {  	[tilespmem:s24], [sflag:$0x3] =	stream.linear.gather [hbm4b:s1+s4], $0x100, $0x38;
	[tilespmem:$0x1E200] =	vst v63  }
0x70: {  	_ =	swait.ge [sflag:s19], $0x100  }
0x71: {  	[sflag:s19] =	ssyncset.done $0x0  }
0x72: {  	[sflag:s19] =	ssyncadd.s32 $0xFFFFFF00  }
0x73: {  	[tilespmem:s25], [sflag:$0x2] =	stream.indirect.gather [hbm4b:s0+s21], $0x80, s24, s21, $0xb8;
	[tilespmem:$0x1E200] =	vst v63  }
0x74: {  	_ = 	snop  }
0x75: {  	[spmem:s3] =	stream.indirect.scatter.add.f32 [tilespmem:s22], [sflag:$0x3], $0x80, s26, s21, $0xb8;
	[tilespmem:$0x1E200] =	vst v63  }
0x76: {  	_ =	swait.ge [sflag:s19], $0x4000  }
0x77: {  	[sflag:s19] =	ssyncset.done $0x0  }
0x78: {  	[sflag:s19] =	ssyncadd.s32 $0xFFFFC000  }
0x79: {  	_ =	swait.ge [sflag:s28], $0x4000  }
0x7a: {  	[sflag:s28] =	ssyncset.done $0x0  }
0x7b: {  	[sflag:s28] =	ssyncadd.s32 $0xFFFFC000  }
0x7c: {  	[spmem:s3] =	stream.indirect.scatter.add.f32 [tilespmem:s25], [sflag:$0x3], $0x80, s29, s21, $0xb8;
	[tilespmem:$0x1E200] =	vst v63  }
0x7d: {  	_ =	swait.ge [sflag:s19], $0x4000  }
0x7e: {  	s31 =	simm.s32 $0x1000;
	s1 =	simm.s32 $0x2000;
	[sflag:s19] =	ssyncset.done $0x0  }
.LBB2_4:
0x7f: {  	s2 =	sadd.s32 s31, s17  }
0x80: {  	[sflag:s19] =	ssyncadd.s32 $0xFFFFC000;
	s31 =	smov.u32 s1;
	s6 =	sadd.s32 $0x1000, s1  }
0x81: {  	[tilespmem:s20], [sflag:$0x3] =	stream.linear.gather [hbm4b:s2+s4], $0x100, $0x38;
	[tilespmem:$0x1E200] =	vst v63  }
0x82: {  	p0 =	sne.s32 s1, $0x13000;
	_ =	swait.ge [sflag:s19], $0x100  }
0x83: {  	[sflag:s19] =	ssyncset.done $0x0  }
0x84: {  	[sflag:s19] =	ssyncadd.s32 $0xFFFFFF00  }
0x85: {  	[tilespmem:s22], [sflag:$0x1] =	stream.indirect.gather [hbm4b:s0+s21], $0x80, s20, s21, $0xb8;
	[tilespmem:$0x1E200] =	vst v63  }
0x86: {  	_ =	swait.ge [sflag:s23], $0x4000  }
0x87: {  	[sflag:s23] =	ssyncset.done $0x0  }
0x88: {  	s1 =	sadd.s32 $0x400, s2;
	[sflag:s23] =	ssyncadd.s32 $0xFFFFC000  }
0x89: {  	[tilespmem:s24], [sflag:$0x3] =	stream.linear.gather [hbm4b:s1+s4], $0x100, $0x38;
	[tilespmem:$0x1E200] =	vst v63  }
0x8a: {  	_ =	swait.ge [sflag:s19], $0x100  }
0x8b: {  	[sflag:s19] =	ssyncset.done $0x0  }
0x8c: {  	[sflag:s19] =	ssyncadd.s32 $0xFFFFFF00  }
0x8d: {  	[tilespmem:s25], [sflag:$0x2] =	stream.indirect.gather [hbm4b:s0+s21], $0x80, s24, s21, $0xb8;
	[tilespmem:$0x1E200] =	vst v63  }
0x8e: {  	_ = 	snop  }
0x8f: {  	[spmem:s3] =	stream.indirect.scatter.add.f32 [tilespmem:s22], [sflag:$0x3], $0x80, s26, s21, $0xb8;
	[tilespmem:$0x1E200] =	vst v63  }
0x90: {  	_ =	swait.ge [sflag:s19], $0x4000  }
0x91: {  	[sflag:s19] =	ssyncset.done $0x0  }
0x92: {  	[sflag:s19] =	ssyncadd.s32 $0xFFFFC000  }
0x93: {  	_ =	swait.ge [sflag:s28], $0x4000  }
0x94: {  	[sflag:s28] =	ssyncset.done $0x0  }
0x95: {  	s1 =	sadd.s32 $0x800, s2;
	[sflag:s28] =	ssyncadd.s32 $0xFFFFC000  }
0x96: {  	[tilespmem:s20], [sflag:$0x3] =	stream.linear.gather [hbm4b:s1+s4], $0x100, $0x38;
	[tilespmem:$0x1E200] =	vst v63  }
0x97: {  	_ =	swait.ge [sflag:s19], $0x100  }
0x98: {  	[sflag:s19] =	ssyncset.done $0x0  }
0x99: {  	[sflag:s19] =	ssyncadd.s32 $0xFFFFFF00  }
0x9a: {  	[tilespmem:s22], [sflag:$0x1] =	stream.indirect.gather [hbm4b:s0+s21], $0x80, s20, s21, $0xb8;
	[tilespmem:$0x1E200] =	vst v63  }
0x9b: {  	_ = 	snop  }
0x9c: {  	[spmem:s3] =	stream.indirect.scatter.add.f32 [tilespmem:s25], [sflag:$0x3], $0x80, s29, s21, $0xb8;
	[tilespmem:$0x1E200] =	vst v63  }
0x9d: {  	_ =	swait.ge [sflag:s19], $0x4000  }
0x9e: {  	[sflag:s19] =	ssyncset.done $0x0  }
0x9f: {  	[sflag:s19] =	ssyncadd.s32 $0xFFFFC000  }
0xa0: {  	_ =	swait.ge [sflag:s23], $0x4000  }
0xa1: {  	[sflag:s23] =	ssyncset.done $0x0  }
0xa2: {  	s1 =	sadd.s32 $0xC00, s2;
	[sflag:s23] =	ssyncadd.s32 $0xFFFFC000  }
0xa3: {  	[tilespmem:s24], [sflag:$0x3] =	stream.linear.gather [hbm4b:s1+s4], $0x100, $0x38;
	[tilespmem:$0x1E200] =	vst v63  }
0xa4: {  	_ =	swait.ge [sflag:s19], $0x100  }
0xa5: {  	[sflag:s19] =	ssyncset.done $0x0  }
0xa6: {  	[sflag:s19] =	ssyncadd.s32 $0xFFFFFF00  }
0xa7: {  	[tilespmem:s25], [sflag:$0x2] =	stream.indirect.gather [hbm4b:s0+s21], $0x80, s24, s21, $0xb8;
	[tilespmem:$0x1E200] =	vst v63  }
0xa8: {  	_ = 	snop  }
0xa9: {  	[spmem:s3] =	stream.indirect.scatter.add.f32 [tilespmem:s22], [sflag:$0x3], $0x80, s26, s21, $0xb8;
	[tilespmem:$0x1E200] =	vst v63  }
0xaa: {  	_ =	swait.ge [sflag:s19], $0x4000  }
0xab: {  	[sflag:s19] =	ssyncset.done $0x0  }
0xac: {  	[sflag:s19] =	ssyncadd.s32 $0xFFFFC000  }
0xad: {  	_ =	swait.ge [sflag:s28], $0x4000  }
.Ltmp1:
0xae: {  	[sflag:s28] =	ssyncset.done $0x0;
	(pc) =	sbr.rel @p0 .LBB2_4-.Ltmp1, $4  }
0xaf: {  	[sflag:s28] =	ssyncadd.s32 $0xFFFFC000  }
0xb0: {  	[spmem:s3] =	stream.indirect.scatter.add.f32 [tilespmem:s25], [sflag:$0x3], $0x80, s29, s21, $0xb8;
	[tilespmem:$0x1E200] =	vst v63  }
0xb1: {  	_ =	swait.ge [sflag:s19], $0x4000  }
0xb2: {  	s1 =	smov.u32 s6;
	[sflag:s19] =	ssyncset.done $0x0  }
0xb3: {  	s1 =	sadd.s32 s31, s17;
	[sflag:s19] =	ssyncadd.s32 $0xFFFFC000  }
0xb4: {  	[tilespmem:s20], [sflag:$0x3] =	stream.linear.gather [hbm4b:s1+s4], $0x100, $0x38;
	[tilespmem:$0x1E200] =	vst v63  }
0xb5: {  	_ =	swait.ge [sflag:s19], $0x100  }
0xb6: {  	[sflag:s19] =	ssyncset.done $0x0  }
0xb7: {  	[sflag:s19] =	ssyncadd.s32 $0xFFFFFF00  }
0xb8: {  	[tilespmem:s22], [sflag:$0x1] =	stream.indirect.gather [hbm4b:s0+s21], $0x80, s20, s21, $0xb8;
	[tilespmem:$0x1E200] =	vst v63  }
0xb9: {  	_ =	swait.ge [sflag:s23], $0x4000  }
0xba: {  	[sflag:s23] =	ssyncset.done $0x0  }
0xbb: {  	s2 =	sadd.s32 $0x400, s1;
	[sflag:s23] =	ssyncadd.s32 $0xFFFFC000  }
0xbc: {  	[tilespmem:s24], [sflag:$0x3] =	stream.linear.gather [hbm4b:s2+s4], $0x100, $0x38;
	[tilespmem:$0x1E200] =	vst v63  }
0xbd: {  	_ =	swait.ge [sflag:s19], $0x100  }
0xbe: {  	[sflag:s19] =	ssyncset.done $0x0  }
0xbf: {  	[sflag:s19] =	ssyncadd.s32 $0xFFFFFF00  }
0xc0: {  	[tilespmem:s25], [sflag:$0x2] =	stream.indirect.gather [hbm4b:s0+s21], $0x80, s24, s21, $0xb8;
	[tilespmem:$0x1E200] =	vst v63  }
0xc1: {  	_ = 	snop  }
0xc2: {  	[spmem:s3] =	stream.indirect.scatter.add.f32 [tilespmem:s22], [sflag:$0x3], $0x80, s26, s21, $0xb8;
	[tilespmem:$0x1E200] =	vst v63  }
0xc3: {  	_ =	swait.ge [sflag:s19], $0x4000  }
0xc4: {  	[sflag:s19] =	ssyncset.done $0x0  }
0xc5: {  	[sflag:s19] =	ssyncadd.s32 $0xFFFFC000  }
0xc6: {  	_ =	swait.ge [sflag:s28], $0x4000  }
0xc7: {  	[sflag:s28] =	ssyncset.done $0x0  }
0xc8: {  	s31 =	sadd.s32 $0x800, s1;
	[sflag:s28] =	ssyncadd.s32 $0xFFFFC000  }
0xc9: {  	[tilespmem:s20], [sflag:$0x3] =	stream.linear.gather [hbm4b:s31+s4], $0x100, $0x38;
	[tilespmem:$0x1E200] =	vst v63  }
0xca: {  	_ =	swait.ge [sflag:s19], $0x100  }
0xcb: {  	[sflag:s19] =	ssyncset.done $0x0  }
0xcc: {  	[sflag:s19] =	ssyncadd.s32 $0xFFFFFF00  }
0xcd: {  	[tilespmem:s22], [sflag:$0x1] =	stream.indirect.gather [hbm4b:s0+s21], $0x80, s20, s21, $0xb8;
	[tilespmem:$0x1E200] =	vst v63  }
0xce: {  	_ = 	snop  }
0xcf: {  	[spmem:s3] =	stream.indirect.scatter.add.f32 [tilespmem:s25], [sflag:$0x3], $0x80, s29, s21, $0xb8;
	[tilespmem:$0x1E200] =	vst v63  }
0xd0: {  	_ =	swait.ge [sflag:s19], $0x4000  }
0xd1: {  	[sflag:s19] =	ssyncset.done $0x0  }
0xd2: {  	[sflag:s19] =	ssyncadd.s32 $0xFFFFC000  }
0xd3: {  	_ =	swait.ge [sflag:s23], $0x4000  }
0xd4: {  	[sflag:s23] =	ssyncset.done $0x0  }
0xd5: {  	s1 =	sadd.s32 $0xC00, s1;
	[sflag:s23] =	ssyncadd.s32 $0xFFFFC000  }
0xd6: {  	[tilespmem:s24], [sflag:$0x3] =	stream.linear.gather [hbm4b:s1+s4], $0x100, $0x38;
	[tilespmem:$0x1E200] =	vst v63  }
0xd7: {  	_ =	swait.ge [sflag:s19], $0x100  }
0xd8: {  	[sflag:s19] =	ssyncset.done $0x0  }
0xd9: {  	[sflag:s19] =	ssyncadd.s32 $0xFFFFFF00  }
0xda: {  	[tilespmem:s25], [sflag:$0x2] =	stream.indirect.gather [hbm4b:s0+s21], $0x80, s24, s21, $0xb8;
	[tilespmem:$0x1E200] =	vst v63  }
0xdb: {  	_ = 	snop  }
0xdc: {  	[spmem:s3] =	stream.indirect.scatter.add.f32 [tilespmem:s22], [sflag:$0x3], $0x80, s26, s21, $0xb8;
	[tilespmem:$0x1E200] =	vst v63  }
0xdd: {  	_ =	swait.ge [sflag:s19], $0x4000  }
0xde: {  	[sflag:s19] =	ssyncset.done $0x0  }
0xdf: {  	[sflag:s19] =	ssyncadd.s32 $0xFFFFC000  }
0xe0: {  	_ =	swait.ge [sflag:s28], $0x4000  }
0xe1: {  	[sflag:s28] =	ssyncset.done $0x0  }
0xe2: {  	[sflag:s28] =	ssyncadd.s32 $0xFFFFC000  }
0xe3: {  	[spmem:s3] =	stream.indirect.scatter.add.f32 [tilespmem:s25], [sflag:$0x3], $0x80, s29, s21, $0xb8;
	[tilespmem:$0x1E200] =	vst v63  }
0xe4: {  	s30 =	sadd.s32 $0x1, s30;
	_ =	swait.ge [sflag:s19], $0x4000  }
0xe5: {  	s6 =	stileid.u32;
	p0 =	sne.s32 s30, s16;
	[sflag:s19] =	ssyncset.done $0x0  }
0xe6: {  	s31 =	sshrl.u32 s5, $0x3;
	s1 =	sshll.u32 s6, $0x6;
	[sflag:s19] =	ssyncadd.s32 $0xFFFFC000  }
.Ltmp2:
0xe7: {  	s1 =	sor.u32 $0x1C03, s1;
	[bflag:$0x0] =	sbarrier.arrive $0xFFFF;
	(pc) =	sbr.rel @p0 .LBB2_1-.Ltmp2, $4  }
0xe8: {  	[hbm:s15], [sflag:s1] =	dma.local [spmem:s31], $0x2800  }
0xe9: {  	_ =	swait.ge [sflag:s19], $0x2800  }
0xea: {  	[sflag:s19] =	ssyncset.done $0x0  }
0xeb: {  	[sflag:s19] =	ssyncadd.s32 $0xFFFFD800  }
0xec: {  	_ =	sfence.sel $0x180000  }
0xed: {  	[bflag:$0x0] =	sbarrier.arrive $0xFFFF  }
0xee: {  	_ =	strace $0x90000047  }
0xef: {  	s0 =	stileid.u32;
	[bflag:$0x2] =	sbarrier.arrive $0xFFFF  }
0xf0: {  	p0 =	sne.s32 s0, $0x0;
	s0 =	rddreg [dreg:$0x3]  }
0xf1: {  	s0 =	sadd.s32 @!p0 $0x100000, s0  }
0xf2: {  	[sflag:s0] =	ssyncadd.tile.s32 @!p0 $0x1;
	_ =	shalt  }
.Lfunc_end2:
_tile_overlayer_lowered:
.L_overlay_start_2:
0xf3: {  	(tag) =	ssettag $0x2  }
0xf4: {  	s0 =	rddreg [dreg:$0x0];
	s2 =	stileid.u32  }
0xf5: {  	s1 =	rddreg [dreg:$0x1];
	p0 =	sne.s32 s2, $0x0  }
0xf6: {  	s3 =	rddreg [dreg:$0x2];
	[bflag:$0x3] =	sbarrier.arrive $0xFFFF;
	s2 =	simm.s32 @!p0 $0x1C03  }
0xf7: {  	[timem:s3], [sflag:s2] =	dma.local @!p0 [hbm:s0], s1  }
0xf8: {  	s0 =	simm.s32 @!p0 $0x3  }
0xf9: {  	_ =	swait.ge @!p0 [sflag:s0], s1  }
0xfa: {  	s1 =	ssub.s32 @!p0 $0x0, s1;
	[sflag:s0] =	ssyncset.done @!p0 $0x0  }
0xfb: {  	[sflag:s0] =	ssyncadd.s32 @!p0 s1  }
0xfc: {  	[bflag:$0x3] =	sbarrier.arrive $0xFFFF  }
0xfd: {  	_ =	shalt  }

</sc_bundles>
